<compile_context>
chip_gen: v7x
topology: tpu7x:2x2x1
jax: 0.10.2.dev20260603
libtpu: 0.0.44.dev20260713+nightly
codegen_flags: <defaults>
</compile_context>

<pallas_src>
import functools

import jax
import jax.numpy as jnp
from jax import lax
from jax.experimental import pallas as pl
from jax.experimental.pallas import tpu as pltpu
from jax.experimental.pallas import tpu_sc as plsc

N_ROWS = 1000000
EMB_DIM = 32
PAIRS = EMB_DIM // 2
LANES = 16
PANELS = 8192
DIM_STRIDE = PANELS * 128
BLK_COLS = 65536


def _pack_block(x):
    bits = jax.lax.bitcast_convert_type(x, jnp.uint32)
    lo = bits[:PAIRS, :] >> 16
    hi = bits[PAIRS:, :] & jnp.uint32(0xFFFF0000)
    packed = lo | hi
    return packed.reshape(PAIRS, BLK_COLS // 128, 128)


def _detile_body(t_in, t_out):
    t_out[...] = _pack_block(t_in[...])


def _detile(tt):
    grid = (N_ROWS + BLK_COLS - 1) // BLK_COLS
    out = pl.pallas_call(
        _detile_body,
        grid=(grid,),
        in_specs=[pl.BlockSpec((EMB_DIM, BLK_COLS), lambda j: (0, j))],
        out_specs=pl.BlockSpec((PAIRS, BLK_COLS // 128, 128),
                               lambda j: (0, j, 0)),
        out_shape=jax.ShapeDtypeStruct((PAIRS, PANELS, 128), jnp.uint32),
    )(tt)
    return out.reshape(-1)


def _common(batch):
    info = plsc.get_sparse_core_info()
    nc, ns = info.num_cores, info.num_subcores
    nw = nc * ns
    assert batch % (8 * nw) == 0
    return nc, batch // nw


def _start_gathers(flat_hbm, idx_v, dat_v, bias_hbm, bias_out_v, sem,
                   b_per_w):
    copies = []
    for d in range(PAIRS):
        cp = pltpu.make_async_copy(
            flat_hbm.at[pl.ds(d * DIM_STRIDE, DIM_STRIDE)].at[idx_v],
            dat_v.at[pl.ds(d * b_per_w, b_per_w)], sem)
        cp.start()
        copies.append(cp)
    cp = pltpu.make_async_copy(bias_hbm.at[idx_v], bias_out_v, sem)
    cp.start()
    copies.append(cp)
    return copies


def _make_gather_stage(batch):
    nc, b_per_w = _common(batch)
    mesh = plsc.VectorSubcoreMesh(core_axis_name="c", subcore_axis_name="s")

    @functools.partial(
        pl.kernel,
        mesh=mesh,
        out_type=(
            jax.ShapeDtypeStruct((PAIRS * batch,), jnp.uint32),
            jax.ShapeDtypeStruct((batch,), jnp.float32),
        ),
        scratch_types=[
            pltpu.VMEM((b_per_w,), jnp.int32),
            pltpu.VMEM((PAIRS * b_per_w,), jnp.uint32),
            pltpu.VMEM((b_per_w,), jnp.float32),
            pltpu.SemaphoreType.DMA,
        ],
        compiler_params=pltpu.CompilerParams(needs_layout_passes=False),
    )
    def k(users_hbm, uflat_hbm, ubias_hbm, ug_hbm, ubg_hbm,
          users_v, udat_v, ubias_v, sem):
        wid = lax.axis_index("s") * nc + lax.axis_index("c")
        base = wid * b_per_w

        pltpu.sync_copy(users_hbm.at[pl.ds(base, b_per_w)], users_v)
        for cp in _start_gathers(uflat_hbm, users_v, udat_v, ubias_hbm,
                                 ubias_v, sem, b_per_w):
            cp.wait()
        pltpu.sync_copy(udat_v,
                        ug_hbm.at[pl.ds(wid * PAIRS * b_per_w,
                                        PAIRS * b_per_w)])
        pltpu.sync_copy(ubias_v, ubg_hbm.at[pl.ds(base, b_per_w)])

    return k


def _make_finish_stage(batch):
    nc, b_per_w = _common(batch)
    n_groups = b_per_w // LANES
    mesh = plsc.VectorSubcoreMesh(core_axis_name="c", subcore_axis_name="s")

    @functools.partial(
        pl.kernel,
        mesh=mesh,
        out_type=jax.ShapeDtypeStruct((batch,), jnp.float32),
        scratch_types=[
            pltpu.VMEM((b_per_w,), jnp.int32),
            pltpu.VMEM((PAIRS * b_per_w,), jnp.uint32),
            pltpu.VMEM((PAIRS * b_per_w,), jnp.uint32),
            pltpu.VMEM((b_per_w,), jnp.float32),
            pltpu.VMEM((b_per_w,), jnp.float32),
            pltpu.VMEM((LANES,), jnp.float32),
            pltpu.VMEM((b_per_w,), jnp.float32),
            pltpu.SemaphoreType.DMA,
        ],
        compiler_params=pltpu.CompilerParams(needs_layout_passes=False),
    )
    def k(items_hbm, iflat_hbm, ibias_hbm, ug_hbm, ubg_hbm, bias_hbm,
          out_hbm, items_v, idat_v, udat_v, ibias_v, ubias_v, bias_v,
          out_v, sem):
        wid = lax.axis_index("s") * nc + lax.axis_index("c")
        base = wid * b_per_w

        pltpu.sync_copy(items_hbm.at[pl.ds(base, b_per_w)], items_v)
        copies = _start_gathers(iflat_hbm, items_v, idat_v, ibias_hbm,
                                ibias_v, sem, b_per_w)
        pltpu.sync_copy(ug_hbm.at[pl.ds(wid * PAIRS * b_per_w,
                                        PAIRS * b_per_w)], udat_v)
        pltpu.sync_copy(ubg_hbm.at[pl.ds(base, b_per_w)], ubias_v)
        pltpu.sync_copy(bias_hbm, bias_v)
        for cp in copies:
            cp.wait()

        bias_vec = bias_v[...]
        himask = jnp.full((LANES,), 0xFFFF0000, jnp.uint32)

        def split(w):
            lo = plsc.bitcast(w << 16, jnp.float32)
            hi = plsc.bitcast(w & himask, jnp.float32)
            return lo, hi

        def group(g, carry):
            e0 = g * LANES
            acc = jnp.zeros((LANES,), jnp.float32)
            for d in range(PAIRS):
                sl = pl.ds(d * b_per_w + e0, LANES)
                ulo, uhi = split(udat_v[sl])
                ilo, ihi = split(idat_v[sl])
                acc = acc + ulo * ilo + uhi * ihi
            sl = pl.ds(e0, LANES)
            acc = acc + ubias_v[sl] + ibias_v[sl] + bias_vec
            out_v[sl] = 1.0 / (1.0 + jnp.exp(-acc))
            return carry

        lax.fori_loop(0, n_groups, group, 0)
        pltpu.sync_copy(out_v, out_hbm.at[pl.ds(base, b_per_w)])

    return k


@jax.jit
def kernel(users, items, user_table, item_table, user_bias, item_bias, bias):
    batch = users.shape[0]
    users = users.astype(jnp.int32)
    items = items.astype(jnp.int32)
    bias16 = jnp.broadcast_to(bias.astype(jnp.float32), (LANES,))
    uflat = _detile(user_table.T)
    ug, ubg = _make_gather_stage(batch)(users, uflat, user_bias)
    iflat = _detile(item_table.T)
    return _make_finish_stage(batch)(items, iflat, item_bias, ug, ubg,
                                     bias16)

# --- scband reference (transcript-rebuilt; emitter-appended) ---
"""Pipeline reference for scband-matrix-factorizatoin-dot-product-8100308320596 (READ-ONLY COPY).

The authoritative reference and input builder live on the scoring server;
editing this copy changes nothing except your own understanding.
"""

import jax, jax.numpy as jnp
import numpy as np

N_USERS = 1000000
N_ITEMS = 1000000
EMB_DIM = 32
BATCH = 16384

def setup_inputs(seed: int = 0) -> dict:
    key = jax.random.key(seed)
    k1, k2, k3, k4 = jax.random.split(key, 4)
    users = jax.random.randint(k1, (BATCH,), 0, N_USERS, dtype=jnp.int64) if jax.config.jax_enable_x64 else jax.random.randint(k1, (BATCH,), 0, N_USERS, dtype=jnp.int32)
    items = jax.random.randint(k2, (BATCH,), 0, N_ITEMS, dtype=jnp.int32)
    user_table = jax.random.normal(k3, (N_USERS, EMB_DIM), dtype=jnp.float32) * 0.05
    item_table = jax.random.normal(k4, (N_ITEMS, EMB_DIM), dtype=jnp.float32) * 0.05
    user_bias = jnp.zeros((N_USERS,), dtype=jnp.float32)
    item_bias = jnp.zeros((N_ITEMS,), dtype=jnp.float32)
    bias = jnp.zeros((1,), dtype=jnp.float32)
    return {"users": users, "items": items, "user_table": user_table, "item_table": item_table, "user_bias": user_bias, "item_bias": item_bias, "bias": bias}

def reference(users, items, user_table, item_table, user_bias, item_bias, bias):
    user_embeds = jnp.take(user_table, users, axis=0)
    item_embeds = jnp.take(item_table, items, axis=0)
    output = jnp.sum(user_embeds * item_embeds, axis=1)
    output = output + jnp.take(item_bias, items, axis=0) + jnp.take(user_bias, users, axis=0)
    output = output + bias
    return jax.nn.sigmoid(output)

if __name__ == "__main__":
    import jax
    _d = setup_inputs()
    print(jax.jit(kernel)(*tuple(_d.values())))

</pallas_src>

<mosaic_0001>
#map = affine_map<(d0, d1) -> (0)>
module attributes {stable_mosaic.version = 14 : i64} {
  func.func @k(%arg0: i32, %arg1: i32, %arg2: memref<16384xi32, #tpu.memory_space<hbm>>, %arg3: memref<16777216xi32, #tpu.memory_space<hbm>>, %arg4: memref<1000000xf32, #tpu.memory_space<hbm>>, %arg5: memref<262144xi32, #tpu.memory_space<hbm>>, %arg6: memref<16384xf32, #tpu.memory_space<hbm>>, %arg7: memref<512xi32, #tpu.memory_space<vmem>>, %arg8: memref<8192xi32, #tpu.memory_space<vmem>>, %arg9: memref<512xf32, #tpu.memory_space<vmem>>, %arg10: memref<!tpu.dma_semaphore, #tpu.memory_space<semaphore_mem>>) attributes {dimension_semantics = [#tpu.dimension_semantics<core_parallel>, #tpu.dimension_semantics<subcore_parallel>], iteration_bounds = array<i64: 2, 16>, scalar_prefetch = 0 : i64, scratch_operands = 4 : i64, tpu.core_type = #tpu.core_type<sc_vector_subcore>, window_params = [{transform_indices = #map}, {transform_indices = #map}, {transform_indices = #map}, {transform_indices = #map}, {transform_indices = #map}]} {
    %mul3A = arith.constant 2 : i32
    %mul3A_0 = arith.muli %arg1, %mul3A : i32
    %add3A = arith.addi %mul3A_0, %arg0 : i32
    %mul3A_1 = arith.constant 512 : i32
    %mul3A_2 = arith.muli %add3A, %mul3A_1 : i32
    "tpu.region"() ({
      %run_scoped3A = tpu.sem_alloc : memref<!tpu.dma_semaphore, #tpu.memory_space<semaphore_mem>>
      %dma_start3A_201 = tpu.memref_slice %arg2[%mul3A_2] : memref<16384xi32, #tpu.memory_space<hbm>> -> memref<512xi32, #tpu.memory_space<hbm>>
      %dma_start3A_202 = tpu.memref_slice %arg2[%mul3A_2] : memref<16384xi32, #tpu.memory_space<hbm>> -> memref<512xi32, #tpu.memory_space<hbm>>
      tpu.enqueue_dma source(%dma_start3A_202 : memref<512xi32, #tpu.memory_space<hbm>>) target(%arg7 : memref<512xi32, #tpu.memory_space<vmem>>) target_semaphore(%run_scoped3A : memref<!tpu.dma_semaphore, #tpu.memory_space<semaphore_mem>>)
      %dma_wait3A_203 = tpu.memref_slice %arg2[%mul3A_2] : memref<16384xi32, #tpu.memory_space<hbm>> -> memref<512xi32, #tpu.memory_space<hbm>>
      %dma_wait3A_204 = tpu.memref_slice %arg2[%mul3A_2] : memref<16384xi32, #tpu.memory_space<hbm>> -> memref<512xi32, #tpu.memory_space<hbm>>
      tpu.wait_dma2 semaphore(%run_scoped3A : memref<!tpu.dma_semaphore, #tpu.memory_space<semaphore_mem>>) src(%dma_wait3A_204 : memref<512xi32, #tpu.memory_space<hbm>>) dst(%arg7 : memref<512xi32, #tpu.memory_space<vmem>>)
      tpu.yield
    }) : () -> ()
    %dma_start3A = arith.constant 0 : i32
    %dma_start3A_3 = tpu.memref_slice %arg8[%dma_start3A] : memref<8192xi32, #tpu.memory_space<vmem>> -> memref<512xi32, #tpu.memory_space<vmem>>
    %dma_start3A_4 = arith.constant 0 : i32
    %dma_start3A_5 = tpu.memref_slice %arg3[%dma_start3A_4] : memref<16777216xi32, #tpu.memory_space<hbm>> -> memref<1048576xi32, #tpu.memory_space<hbm>>
    %dma_start3A_6 = arith.constant 0 : i32
    %dma_start3A_7 = tpu.memref_slice %dma_start3A_5[%dma_start3A_6] : memref<1048576xi32, #tpu.memory_space<hbm>> -> memref<1048576xi32, #tpu.memory_space<hbm>>
    tpu.enqueue_indirect_dma source(%dma_start3A_7 : memref<1048576xi32, #tpu.memory_space<hbm>>) target(%dma_start3A_3 : memref<512xi32, #tpu.memory_space<vmem>>) offsets(%arg7 : memref<512xi32, #tpu.memory_space<vmem>>) semaphore(%arg10 : memref<!tpu.dma_semaphore, #tpu.memory_space<semaphore_mem>>)
    %dma_start3A_8 = arith.constant 512 : i32
    %dma_start3A_9 = tpu.memref_slice %arg8[%dma_start3A_8] : memref<8192xi32, #tpu.memory_space<vmem>> -> memref<512xi32, #tpu.memory_space<vmem>>
    %dma_start3A_10 = arith.constant 1048576 : i32
    %dma_start3A_11 = tpu.memref_slice %arg3[%dma_start3A_10] : memref<16777216xi32, #tpu.memory_space<hbm>> -> memref<1048576xi32, #tpu.memory_space<hbm>>
    %dma_start3A_12 = arith.constant 0 : i32
    %dma_start3A_13 = tpu.memref_slice %dma_start3A_11[%dma_start3A_12] : memref<1048576xi32, #tpu.memory_space<hbm>> -> memref<1048576xi32, #tpu.memory_space<hbm>>
    tpu.enqueue_indirect_dma source(%dma_start3A_13 : memref<1048576xi32, #tpu.memory_space<hbm>>) target(%dma_start3A_9 : memref<512xi32, #tpu.memory_space<vmem>>) offsets(%arg7 : memref<512xi32, #tpu.memory_space<vmem>>) semaphore(%arg10 : memref<!tpu.dma_semaphore, #tpu.memory_space<semaphore_mem>>)
    %dma_start3A_14 = arith.constant 1024 : i32
    %dma_start3A_15 = tpu.memref_slice %arg8[%dma_start3A_14] : memref<8192xi32, #tpu.memory_space<vmem>> -> memref<512xi32, #tpu.memory_space<vmem>>
    %dma_start3A_16 = arith.constant 2097152 : i32
    %dma_start3A_17 = tpu.memref_slice %arg3[%dma_start3A_16] : memref<16777216xi32, #tpu.memory_space<hbm>> -> memref<1048576xi32, #tpu.memory_space<hbm>>
    %dma_start3A_18 = arith.constant 0 : i32
    %dma_start3A_19 = tpu.memref_slice %dma_start3A_17[%dma_start3A_18] : memref<1048576xi32, #tpu.memory_space<hbm>> -> memref<1048576xi32, #tpu.memory_space<hbm>>
    tpu.enqueue_indirect_dma source(%dma_start3A_19 : memref<1048576xi32, #tpu.memory_space<hbm>>) target(%dma_start3A_15 : memref<512xi32, #tpu.memory_space<vmem>>) offsets(%arg7 : memref<512xi32, #tpu.memory_space<vmem>>) semaphore(%arg10 : memref<!tpu.dma_semaphore, #tpu.memory_space<semaphore_mem>>)
    %dma_start3A_20 = arith.constant 1536 : i32
    %dma_start3A_21 = tpu.memref_slice %arg8[%dma_start3A_20] : memref<8192xi32, #tpu.memory_space<vmem>> -> memref<512xi32, #tpu.memory_space<vmem>>
    %dma_start3A_22 = arith.constant 3145728 : i32
    %dma_start3A_23 = tpu.memref_slice %arg3[%dma_start3A_22] : memref<16777216xi32, #tpu.memory_space<hbm>> -> memref<1048576xi32, #tpu.memory_space<hbm>>
    %dma_start3A_24 = arith.constant 0 : i32
    %dma_start3A_25 = tpu.memref_slice %dma_start3A_23[%dma_start3A_24] : memref<1048576xi32, #tpu.memory_space<hbm>> -> memref<1048576xi32, #tpu.memory_space<hbm>>
    tpu.enqueue_indirect_dma source(%dma_start3A_25 : memref<1048576xi32, #tpu.memory_space<hbm>>) target(%dma_start3A_21 : memref<512xi32, #tpu.memory_space<vmem>>) offsets(%arg7 : memref<512xi32, #tpu.memory_space<vmem>>) semaphore(%arg10 : memref<!tpu.dma_semaphore, #tpu.memory_space<semaphore_mem>>)
    %dma_start3A_26 = arith.constant 2048 : i32
    %dma_start3A_27 = tpu.memref_slice %arg8[%dma_start3A_26] : memref<8192xi32, #tpu.memory_space<vmem>> -> memref<512xi32, #tpu.memory_space<vmem>>
    %dma_start3A_28 = arith.constant 4194304 : i32
    %dma_start3A_29 = tpu.memref_slice %arg3[%dma_start3A_28] : memref<16777216xi32, #tpu.memory_space<hbm>> -> memref<1048576xi32, #tpu.memory_space<hbm>>
    %dma_start3A_30 = arith.constant 0 : i32
    %dma_start3A_31 = tpu.memref_slice %dma_start3A_29[%dma_start3A_30] : memref<1048576xi32, #tpu.memory_space<hbm>> -> memref<1048576xi32, #tpu.memory_space<hbm>>
    tpu.enqueue_indirect_dma source(%dma_start3A_31 : memref<1048576xi32, #tpu.memory_space<hbm>>) target(%dma_start3A_27 : memref<512xi32, #tpu.memory_space<vmem>>) offsets(%arg7 : memref<512xi32, #tpu.memory_space<vmem>>) semaphore(%arg10 : memref<!tpu.dma_semaphore, #tpu.memory_space<semaphore_mem>>)
    %dma_start3A_32 = arith.constant 2560 : i32
    %dma_start3A_33 = tpu.memref_slice %arg8[%dma_start3A_32] : memref<8192xi32, #tpu.memory_space<vmem>> -> memref<512xi32, #tpu.memory_space<vmem>>
    %dma_start3A_34 = arith.constant 5242880 : i32
    %dma_start3A_35 = tpu.memref_slice %arg3[%dma_start3A_34] : memref<16777216xi32, #tpu.memory_space<hbm>> -> memref<1048576xi32, #tpu.memory_space<hbm>>
    %dma_start3A_36 = arith.constant 0 : i32
    %dma_start3A_37 = tpu.memref_slice %dma_start3A_35[%dma_start3A_36] : memref<1048576xi32, #tpu.memory_space<hbm>> -> memref<1048576xi32, #tpu.memory_space<hbm>>
    tpu.enqueue_indirect_dma source(%dma_start3A_37 : memref<1048576xi32, #tpu.memory_space<hbm>>) target(%dma_start3A_33 : memref<512xi32, #tpu.memory_space<vmem>>) offsets(%arg7 : memref<512xi32, #tpu.memory_space<vmem>>) semaphore(%arg10 : memref<!tpu.dma_semaphore, #tpu.memory_space<semaphore_mem>>)
    %dma_start3A_38 = arith.constant 3072 : i32
    %dma_start3A_39 = tpu.memref_slice %arg8[%dma_start3A_38] : memref<8192xi32, #tpu.memory_space<vmem>> -> memref<512xi32, #tpu.memory_space<vmem>>
    %dma_start3A_40 = arith.constant 6291456 : i32
    %dma_start3A_41 = tpu.memref_slice %arg3[%dma_start3A_40] : memref<16777216xi32, #tpu.memory_space<hbm>> -> memref<1048576xi32, #tpu.memory_space<hbm>>
    %dma_start3A_42 = arith.constant 0 : i32
    %dma_start3A_43 = tpu.memref_slice %dma_start3A_41[%dma_start3A_42] : memref<1048576xi32, #tpu.memory_space<hbm>> -> memref<1048576xi32, #tpu.memory_space<hbm>>
    tpu.enqueue_indirect_dma source(%dma_start3A_43 : memref<1048576xi32, #tpu.memory_space<hbm>>) target(%dma_start3A_39 : memref<512xi32, #tpu.memory_space<vmem>>) offsets(%arg7 : memref<512xi32, #tpu.memory_space<vmem>>) semaphore(%arg10 : memref<!tpu.dma_semaphore, #tpu.memory_space<semaphore_mem>>)
    %dma_start3A_44 = arith.constant 3584 : i32
    %dma_start3A_45 = tpu.memref_slice %arg8[%dma_start3A_44] : memref<8192xi32, #tpu.memory_space<vmem>> -> memref<512xi32, #tpu.memory_space<vmem>>
    %dma_start3A_46 = arith.constant 7340032 : i32
    %dma_start3A_47 = tpu.memref_slice %arg3[%dma_start3A_46] : memref<16777216xi32, #tpu.memory_space<hbm>> -> memref<1048576xi32, #tpu.memory_space<hbm>>
    %dma_start3A_48 = arith.constant 0 : i32
    %dma_start3A_49 = tpu.memref_slice %dma_start3A_47[%dma_start3A_48] : memref<1048576xi32, #tpu.memory_space<hbm>> -> memref<1048576xi32, #tpu.memory_space<hbm>>
    tpu.enqueue_indirect_dma source(%dma_start3A_49 : memref<1048576xi32, #tpu.memory_space<hbm>>) target(%dma_start3A_45 : memref<512xi32, #tpu.memory_space<vmem>>) offsets(%arg7 : memref<512xi32, #tpu.memory_space<vmem>>) semaphore(%arg10 : memref<!tpu.dma_semaphore, #tpu.memory_space<semaphore_mem>>)
    %dma_start3A_50 = arith.constant 4096 : i32
    %dma_start3A_51 = tpu.memref_slice %arg8[%dma_start3A_50] : memref<8192xi32, #tpu.memory_space<vmem>> -> memref<512xi32, #tpu.memory_space<vmem>>
    %dma_start3A_52 = arith.constant 8388608 : i32
    %dma_start3A_53 = tpu.memref_slice %arg3[%dma_start3A_52] : memref<16777216xi32, #tpu.memory_space<hbm>> -> memref<1048576xi32, #tpu.memory_space<hbm>>
    %dma_start3A_54 = arith.constant 0 : i32
    %dma_start3A_55 = tpu.memref_slice %dma_start3A_53[%dma_start3A_54] : memref<1048576xi32, #tpu.memory_space<hbm>> -> memref<1048576xi32, #tpu.memory_space<hbm>>
    tpu.enqueue_indirect_dma source(%dma_start3A_55 : memref<1048576xi32, #tpu.memory_space<hbm>>) target(%dma_start3A_51 : memref<512xi32, #tpu.memory_space<vmem>>) offsets(%arg7 : memref<512xi32, #tpu.memory_space<vmem>>) semaphore(%arg10 : memref<!tpu.dma_semaphore, #tpu.memory_space<semaphore_mem>>)
    %dma_start3A_56 = arith.constant 4608 : i32
    %dma_start3A_57 = tpu.memref_slice %arg8[%dma_start3A_56] : memref<8192xi32, #tpu.memory_space<vmem>> -> memref<512xi32, #tpu.memory_space<vmem>>
    %dma_start3A_58 = arith.constant 9437184 : i32
    %dma_start3A_59 = tpu.memref_slice %arg3[%dma_start3A_58] : memref<16777216xi32, #tpu.memory_space<hbm>> -> memref<1048576xi32, #tpu.memory_space<hbm>>
    %dma_start3A_60 = arith.constant 0 : i32
    %dma_start3A_61 = tpu.memref_slice %dma_start3A_59[%dma_start3A_60] : memref<1048576xi32, #tpu.memory_space<hbm>> -> memref<1048576xi32, #tpu.memory_space<hbm>>
    tpu.enqueue_indirect_dma source(%dma_start3A_61 : memref<1048576xi32, #tpu.memory_space<hbm>>) target(%dma_start3A_57 : memref<512xi32, #tpu.memory_space<vmem>>) offsets(%arg7 : memref<512xi32, #tpu.memory_space<vmem>>) semaphore(%arg10 : memref<!tpu.dma_semaphore, #tpu.memory_space<semaphore_mem>>)
    %dma_start3A_62 = arith.constant 5120 : i32
    %dma_start3A_63 = tpu.memref_slice %arg8[%dma_start3A_62] : memref<8192xi32, #tpu.memory_space<vmem>> -> memref<512xi32, #tpu.memory_space<vmem>>
    %dma_start3A_64 = arith.constant 10485760 : i32
    %dma_start3A_65 = tpu.memref_slice %arg3[%dma_start3A_64] : memref<16777216xi32, #tpu.memory_space<hbm>> -> memref<1048576xi32, #tpu.memory_space<hbm>>
    %dma_start3A_66 = arith.constant 0 : i32
    %dma_start3A_67 = tpu.memref_slice %dma_start3A_65[%dma_start3A_66] : memref<1048576xi32, #tpu.memory_space<hbm>> -> memref<1048576xi32, #tpu.memory_space<hbm>>
    tpu.enqueue_indirect_dma source(%dma_start3A_67 : memref<1048576xi32, #tpu.memory_space<hbm>>) target(%dma_start3A_63 : memref<512xi32, #tpu.memory_space<vmem>>) offsets(%arg7 : memref<512xi32, #tpu.memory_space<vmem>>) semaphore(%arg10 : memref<!tpu.dma_semaphore, #tpu.memory_space<semaphore_mem>>)
    %dma_start3A_68 = arith.constant 5632 : i32
    %dma_start3A_69 = tpu.memref_slice %arg8[%dma_start3A_68] : memref<8192xi32, #tpu.memory_space<vmem>> -> memref<512xi32, #tpu.memory_space<vmem>>
    %dma_start3A_70 = arith.constant 11534336 : i32
    %dma_start3A_71 = tpu.memref_slice %arg3[%dma_start3A_70] : memref<16777216xi32, #tpu.memory_space<hbm>> -> memref<1048576xi32, #tpu.memory_space<hbm>>
    %dma_start3A_72 = arith.constant 0 : i32
    %dma_start3A_73 = tpu.memref_slice %dma_start3A_71[%dma_start3A_72] : memref<1048576xi32, #tpu.memory_space<hbm>> -> memref<1048576xi32, #tpu.memory_space<hbm>>
    tpu.enqueue_indirect_dma source(%dma_start3A_73 : memref<1048576xi32, #tpu.memory_space<hbm>>) target(%dma_start3A_69 : memref<512xi32, #tpu.memory_space<vmem>>) offsets(%arg7 : memref<512xi32, #tpu.memory_space<vmem>>) semaphore(%arg10 : memref<!tpu.dma_semaphore, #tpu.memory_space<semaphore_mem>>)
    %dma_start3A_74 = arith.constant 6144 : i32
    %dma_start3A_75 = tpu.memref_slice %arg8[%dma_start3A_74] : memref<8192xi32, #tpu.memory_space<vmem>> -> memref<512xi32, #tpu.memory_space<vmem>>
    %dma_start3A_76 = arith.constant 12582912 : i32
    %dma_start3A_77 = tpu.memref_slice %arg3[%dma_start3A_76] : memref<16777216xi32, #tpu.memory_space<hbm>> -> memref<1048576xi32, #tpu.memory_space<hbm>>
    %dma_start3A_78 = arith.constant 0 : i32
    %dma_start3A_79 = tpu.memref_slice %dma_start3A_77[%dma_start3A_78] : memref<1048576xi32, #tpu.memory_space<hbm>> -> memref<1048576xi32, #tpu.memory_space<hbm>>
    tpu.enqueue_indirect_dma source(%dma_start3A_79 : memref<1048576xi32, #tpu.memory_space<hbm>>) target(%dma_start3A_75 : memref<512xi32, #tpu.memory_space<vmem>>) offsets(%arg7 : memref<512xi32, #tpu.memory_space<vmem>>) semaphore(%arg10 : memref<!tpu.dma_semaphore, #tpu.memory_space<semaphore_mem>>)
    %dma_start3A_80 = arith.constant 6656 : i32
    %dma_start3A_81 = tpu.memref_slice %arg8[%dma_start3A_80] : memref<8192xi32, #tpu.memory_space<vmem>> -> memref<512xi32, #tpu.memory_space<vmem>>
    %dma_start3A_82 = arith.constant 13631488 : i32
    %dma_start3A_83 = tpu.memref_slice %arg3[%dma_start3A_82] : memref<16777216xi32, #tpu.memory_space<hbm>> -> memref<1048576xi32, #tpu.memory_space<hbm>>
    %dma_start3A_84 = arith.constant 0 : i32
    %dma_start3A_85 = tpu.memref_slice %dma_start3A_83[%dma_start3A_84] : memref<1048576xi32, #tpu.memory_space<hbm>> -> memref<1048576xi32, #tpu.memory_space<hbm>>
    tpu.enqueue_indirect_dma source(%dma_start3A_85 : memref<1048576xi32, #tpu.memory_space<hbm>>) target(%dma_start3A_81 : memref<512xi32, #tpu.memory_space<vmem>>) offsets(%arg7 : memref<512xi32, #tpu.memory_space<vmem>>) semaphore(%arg10 : memref<!tpu.dma_semaphore, #tpu.memory_space<semaphore_mem>>)
    %dma_start3A_86 = arith.constant 7168 : i32
    %dma_start3A_87 = tpu.memref_slice %arg8[%dma_start3A_86] : memref<8192xi32, #tpu.memory_space<vmem>> -> memref<512xi32, #tpu.memory_space<vmem>>
    %dma_start3A_88 = arith.constant 14680064 : i32
    %dma_start3A_89 = tpu.memref_slice %arg3[%dma_start3A_88] : memref<16777216xi32, #tpu.memory_space<hbm>> -> memref<1048576xi32, #tpu.memory_space<hbm>>
    %dma_start3A_90 = arith.constant 0 : i32
    %dma_start3A_91 = tpu.memref_slice %dma_start3A_89[%dma_start3A_90] : memref<1048576xi32, #tpu.memory_space<hbm>> -> memref<1048576xi32, #tpu.memory_space<hbm>>
    tpu.enqueue_indirect_dma source(%dma_start3A_91 : memref<1048576xi32, #tpu.memory_space<hbm>>) target(%dma_start3A_87 : memref<512xi32, #tpu.memory_space<vmem>>) offsets(%arg7 : memref<512xi32, #tpu.memory_space<vmem>>) semaphore(%arg10 : memref<!tpu.dma_semaphore, #tpu.memory_space<semaphore_mem>>)
    %dma_start3A_92 = arith.constant 7680 : i32
    %dma_start3A_93 = tpu.memref_slice %arg8[%dma_start3A_92] : memref<8192xi32, #tpu.memory_space<vmem>> -> memref<512xi32, #tpu.memory_space<vmem>>
    %dma_start3A_94 = arith.constant 15728640 : i32
    %dma_start3A_95 = tpu.memref_slice %arg3[%dma_start3A_94] : memref<16777216xi32, #tpu.memory_space<hbm>> -> memref<1048576xi32, #tpu.memory_space<hbm>>
    %dma_start3A_96 = arith.constant 0 : i32
    %dma_start3A_97 = tpu.memref_slice %dma_start3A_95[%dma_start3A_96] : memref<1048576xi32, #tpu.memory_space<hbm>> -> memref<1048576xi32, #tpu.memory_space<hbm>>
    tpu.enqueue_indirect_dma source(%dma_start3A_97 : memref<1048576xi32, #tpu.memory_space<hbm>>) target(%dma_start3A_93 : memref<512xi32, #tpu.memory_space<vmem>>) offsets(%arg7 : memref<512xi32, #tpu.memory_space<vmem>>) semaphore(%arg10 : memref<!tpu.dma_semaphore, #tpu.memory_space<semaphore_mem>>)
    %dma_start3A_98 = arith.constant 0 : i32
    %dma_start3A_99 = tpu.memref_slice %arg4[%dma_start3A_98] : memref<1000000xf32, #tpu.memory_space<hbm>> -> memref<1000000xf32, #tpu.memory_space<hbm>>
    tpu.enqueue_indirect_dma source(%dma_start3A_99 : memref<1000000xf32, #tpu.memory_space<hbm>>) target(%arg9 : memref<512xf32, #tpu.memory_space<vmem>>) offsets(%arg7 : memref<512xi32, #tpu.memory_space<vmem>>) semaphore(%arg10 : memref<!tpu.dma_semaphore, #tpu.memory_space<semaphore_mem>>)
    %dma_wait3A = arith.constant 0 : i32
    %dma_wait3A_100 = tpu.memref_slice %arg8[%dma_wait3A] : memref<8192xi32, #tpu.memory_space<vmem>> -> memref<512xi32, #tpu.memory_space<vmem>>
    %dma_wait3A_101 = arith.constant 0 : i32
    %dma_wait3A_102 = tpu.memref_slice %arg3[%dma_wait3A_101] : memref<16777216xi32, #tpu.memory_space<hbm>> -> memref<1048576xi32, #tpu.memory_space<hbm>>
    %dma_wait3A_103 = arith.constant 0 : i32
    %dma_wait3A_104 = tpu.memref_slice %dma_wait3A_102[%dma_wait3A_103] : memref<1048576xi32, #tpu.memory_space<hbm>> -> memref<1048576xi32, #tpu.memory_space<hbm>>
    tpu.wait_indirect_dma semaphore(%arg10 : memref<!tpu.dma_semaphore, #tpu.memory_space<semaphore_mem>>) src(%dma_wait3A_104 : memref<1048576xi32, #tpu.memory_space<hbm>>) dst(%dma_wait3A_100 : memref<512xi32, #tpu.memory_space<vmem>>)
    %dma_wait3A_105 = arith.constant 512 : i32
    %dma_wait3A_106 = tpu.memref_slice %arg8[%dma_wait3A_105] : memref<8192xi32, #tpu.memory_space<vmem>> -> memref<512xi32, #tpu.memory_space<vmem>>
    %dma_wait3A_107 = arith.constant 1048576 : i32
    %dma_wait3A_108 = tpu.memref_slice %arg3[%dma_wait3A_107] : memref<16777216xi32, #tpu.memory_space<hbm>> -> memref<1048576xi32, #tpu.memory_space<hbm>>
    %dma_wait3A_109 = arith.constant 0 : i32
    %dma_wait3A_110 = tpu.memref_slice %dma_wait3A_108[%dma_wait3A_109] : memref<1048576xi32, #tpu.memory_space<hbm>> -> memref<1048576xi32, #tpu.memory_space<hbm>>
    tpu.wait_indirect_dma semaphore(%arg10 : memref<!tpu.dma_semaphore, #tpu.memory_space<semaphore_mem>>) src(%dma_wait3A_110 : memref<1048576xi32, #tpu.memory_space<hbm>>) dst(%dma_wait3A_106 : memref<512xi32, #tpu.memory_space<vmem>>)
    %dma_wait3A_111 = arith.constant 1024 : i32
    %dma_wait3A_112 = tpu.memref_slice %arg8[%dma_wait3A_111] : memref<8192xi32, #tpu.memory_space<vmem>> -> memref<512xi32, #tpu.memory_space<vmem>>
    %dma_wait3A_113 = arith.constant 2097152 : i32
    %dma_wait3A_114 = tpu.memref_slice %arg3[%dma_wait3A_113] : memref<16777216xi32, #tpu.memory_space<hbm>> -> memref<1048576xi32, #tpu.memory_space<hbm>>
    %dma_wait3A_115 = arith.constant 0 : i32
    %dma_wait3A_116 = tpu.memref_slice %dma_wait3A_114[%dma_wait3A_115] : memref<1048576xi32, #tpu.memory_space<hbm>> -> memref<1048576xi32, #tpu.memory_space<hbm>>
    tpu.wait_indirect_dma semaphore(%arg10 : memref<!tpu.dma_semaphore, #tpu.memory_space<semaphore_mem>>) src(%dma_wait3A_116 : memref<1048576xi32, #tpu.memory_space<hbm>>) dst(%dma_wait3A_112 : memref<512xi32, #tpu.memory_space<vmem>>)
    %dma_wait3A_117 = arith.constant 1536 : i32
    %dma_wait3A_118 = tpu.memref_slice %arg8[%dma_wait3A_117] : memref<8192xi32, #tpu.memory_space<vmem>> -> memref<512xi32, #tpu.memory_space<vmem>>
    %dma_wait3A_119 = arith.constant 3145728 : i32
    %dma_wait3A_120 = tpu.memref_slice %arg3[%dma_wait3A_119] : memref<16777216xi32, #tpu.memory_space<hbm>> -> memref<1048576xi32, #tpu.memory_space<hbm>>
    %dma_wait3A_121 = arith.constant 0 : i32
    %dma_wait3A_122 = tpu.memref_slice %dma_wait3A_120[%dma_wait3A_121] : memref<1048576xi32, #tpu.memory_space<hbm>> -> memref<1048576xi32, #tpu.memory_space<hbm>>
    tpu.wait_indirect_dma semaphore(%arg10 : memref<!tpu.dma_semaphore, #tpu.memory_space<semaphore_mem>>) src(%dma_wait3A_122 : memref<1048576xi32, #tpu.memory_space<hbm>>) dst(%dma_wait3A_118 : memref<512xi32, #tpu.memory_space<vmem>>)
    %dma_wait3A_123 = arith.constant 2048 : i32
    %dma_wait3A_124 = tpu.memref_slice %arg8[%dma_wait3A_123] : memref<8192xi32, #tpu.memory_space<vmem>> -> memref<512xi32, #tpu.memory_space<vmem>>
    %dma_wait3A_125 = arith.constant 4194304 : i32
    %dma_wait3A_126 = tpu.memref_slice %arg3[%dma_wait3A_125] : memref<16777216xi32, #tpu.memory_space<hbm>> -> memref<1048576xi32, #tpu.memory_space<hbm>>
    %dma_wait3A_127 = arith.constant 0 : i32
    %dma_wait3A_128 = tpu.memref_slice %dma_wait3A_126[%dma_wait3A_127] : memref<1048576xi32, #tpu.memory_space<hbm>> -> memref<1048576xi32, #tpu.memory_space<hbm>>
    tpu.wait_indirect_dma semaphore(%arg10 : memref<!tpu.dma_semaphore, #tpu.memory_space<semaphore_mem>>) src(%dma_wait3A_128 : memref<1048576xi32, #tpu.memory_space<hbm>>) dst(%dma_wait3A_124 : memref<512xi32, #tpu.memory_space<vmem>>)
    %dma_wait3A_129 = arith.constant 2560 : i32
    %dma_wait3A_130 = tpu.memref_slice %arg8[%dma_wait3A_129] : memref<8192xi32, #tpu.memory_space<vmem>> -> memref<512xi32, #tpu.memory_space<vmem>>
    %dma_wait3A_131 = arith.constant 5242880 : i32
    %dma_wait3A_132 = tpu.memref_slice %arg3[%dma_wait3A_131] : memref<16777216xi32, #tpu.memory_space<hbm>> -> memref<1048576xi32, #tpu.memory_space<hbm>>
    %dma_wait3A_133 = arith.constant 0 : i32
    %dma_wait3A_134 = tpu.memref_slice %dma_wait3A_132[%dma_wait3A_133] : memref<1048576xi32, #tpu.memory_space<hbm>> -> memref<1048576xi32, #tpu.memory_space<hbm>>
    tpu.wait_indirect_dma semaphore(%arg10 : memref<!tpu.dma_semaphore, #tpu.memory_space<semaphore_mem>>) src(%dma_wait3A_134 : memref<1048576xi32, #tpu.memory_space<hbm>>) dst(%dma_wait3A_130 : memref<512xi32, #tpu.memory_space<vmem>>)
    %dma_wait3A_135 = arith.constant 3072 : i32
    %dma_wait3A_136 = tpu.memref_slice %arg8[%dma_wait3A_135] : memref<8192xi32, #tpu.memory_space<vmem>> -> memref<512xi32, #tpu.memory_space<vmem>>
    %dma_wait3A_137 = arith.constant 6291456 : i32
    %dma_wait3A_138 = tpu.memref_slice %arg3[%dma_wait3A_137] : memref<16777216xi32, #tpu.memory_space<hbm>> -> memref<1048576xi32, #tpu.memory_space<hbm>>
    %dma_wait3A_139 = arith.constant 0 : i32
    %dma_wait3A_140 = tpu.memref_slice %dma_wait3A_138[%dma_wait3A_139] : memref<1048576xi32, #tpu.memory_space<hbm>> -> memref<1048576xi32, #tpu.memory_space<hbm>>
    tpu.wait_indirect_dma semaphore(%arg10 : memref<!tpu.dma_semaphore, #tpu.memory_space<semaphore_mem>>) src(%dma_wait3A_140 : memref<1048576xi32, #tpu.memory_space<hbm>>) dst(%dma_wait3A_136 : memref<512xi32, #tpu.memory_space<vmem>>)
    %dma_wait3A_141 = arith.constant 3584 : i32
    %dma_wait3A_142 = tpu.memref_slice %arg8[%dma_wait3A_141] : memref<8192xi32, #tpu.memory_space<vmem>> -> memref<512xi32, #tpu.memory_space<vmem>>
    %dma_wait3A_143 = arith.constant 7340032 : i32
    %dma_wait3A_144 = tpu.memref_slice %arg3[%dma_wait3A_143] : memref<16777216xi32, #tpu.memory_space<hbm>> -> memref<1048576xi32, #tpu.memory_space<hbm>>
    %dma_wait3A_145 = arith.constant 0 : i32
    %dma_wait3A_146 = tpu.memref_slice %dma_wait3A_144[%dma_wait3A_145] : memref<1048576xi32, #tpu.memory_space<hbm>> -> memref<1048576xi32, #tpu.memory_space<hbm>>
    tpu.wait_indirect_dma semaphore(%arg10 : memref<!tpu.dma_semaphore, #tpu.memory_space<semaphore_mem>>) src(%dma_wait3A_146 : memref<1048576xi32, #tpu.memory_space<hbm>>) dst(%dma_wait3A_142 : memref<512xi32, #tpu.memory_space<vmem>>)
    %dma_wait3A_147 = arith.constant 4096 : i32
    %dma_wait3A_148 = tpu.memref_slice %arg8[%dma_wait3A_147] : memref<8192xi32, #tpu.memory_space<vmem>> -> memref<512xi32, #tpu.memory_space<vmem>>
    %dma_wait3A_149 = arith.constant 8388608 : i32
    %dma_wait3A_150 = tpu.memref_slice %arg3[%dma_wait3A_149] : memref<16777216xi32, #tpu.memory_space<hbm>> -> memref<1048576xi32, #tpu.memory_space<hbm>>
    %dma_wait3A_151 = arith.constant 0 : i32
    %dma_wait3A_152 = tpu.memref_slice %dma_wait3A_150[%dma_wait3A_151] : memref<1048576xi32, #tpu.memory_space<hbm>> -> memref<1048576xi32, #tpu.memory_space<hbm>>
    tpu.wait_indirect_dma semaphore(%arg10 : memref<!tpu.dma_semaphore, #tpu.memory_space<semaphore_mem>>) src(%dma_wait3A_152 : memref<1048576xi32, #tpu.memory_space<hbm>>) dst(%dma_wait3A_148 : memref<512xi32, #tpu.memory_space<vmem>>)
    %dma_wait3A_153 = arith.constant 4608 : i32
    %dma_wait3A_154 = tpu.memref_slice %arg8[%dma_wait3A_153] : memref<8192xi32, #tpu.memory_space<vmem>> -> memref<512xi32, #tpu.memory_space<vmem>>
    %dma_wait3A_155 = arith.constant 9437184 : i32
    %dma_wait3A_156 = tpu.memref_slice %arg3[%dma_wait3A_155] : memref<16777216xi32, #tpu.memory_space<hbm>> -> memref<1048576xi32, #tpu.memory_space<hbm>>
    %dma_wait3A_157 = arith.constant 0 : i32
    %dma_wait3A_158 = tpu.memref_slice %dma_wait3A_156[%dma_wait3A_157] : memref<1048576xi32, #tpu.memory_space<hbm>> -> memref<1048576xi32, #tpu.memory_space<hbm>>
    tpu.wait_indirect_dma semaphore(%arg10 : memref<!tpu.dma_semaphore, #tpu.memory_space<semaphore_mem>>) src(%dma_wait3A_158 : memref<1048576xi32, #tpu.memory_space<hbm>>) dst(%dma_wait3A_154 : memref<512xi32, #tpu.memory_space<vmem>>)
    %dma_wait3A_159 = arith.constant 5120 : i32
    %dma_wait3A_160 = tpu.memref_slice %arg8[%dma_wait3A_159] : memref<8192xi32, #tpu.memory_space<vmem>> -> memref<512xi32, #tpu.memory_space<vmem>>
    %dma_wait3A_161 = arith.constant 10485760 : i32
    %dma_wait3A_162 = tpu.memref_slice %arg3[%dma_wait3A_161] : memref<16777216xi32, #tpu.memory_space<hbm>> -> memref<1048576xi32, #tpu.memory_space<hbm>>
    %dma_wait3A_163 = arith.constant 0 : i32
    %dma_wait3A_164 = tpu.memref_slice %dma_wait3A_162[%dma_wait3A_163] : memref<1048576xi32, #tpu.memory_space<hbm>> -> memref<1048576xi32, #tpu.memory_space<hbm>>
    tpu.wait_indirect_dma semaphore(%arg10 : memref<!tpu.dma_semaphore, #tpu.memory_space<semaphore_mem>>) src(%dma_wait3A_164 : memref<1048576xi32, #tpu.memory_space<hbm>>) dst(%dma_wait3A_160 : memref<512xi32, #tpu.memory_space<vmem>>)
    %dma_wait3A_165 = arith.constant 5632 : i32
    %dma_wait3A_166 = tpu.memref_slice %arg8[%dma_wait3A_165] : memref<8192xi32, #tpu.memory_space<vmem>> -> memref<512xi32, #tpu.memory_space<vmem>>
    %dma_wait3A_167 = arith.constant 11534336 : i32
    %dma_wait3A_168 = tpu.memref_slice %arg3[%dma_wait3A_167] : memref<16777216xi32, #tpu.memory_space<hbm>> -> memref<1048576xi32, #tpu.memory_space<hbm>>
    %dma_wait3A_169 = arith.constant 0 : i32
    %dma_wait3A_170 = tpu.memref_slice %dma_wait3A_168[%dma_wait3A_169] : memref<1048576xi32, #tpu.memory_space<hbm>> -> memref<1048576xi32, #tpu.memory_space<hbm>>
    tpu.wait_indirect_dma semaphore(%arg10 : memref<!tpu.dma_semaphore, #tpu.memory_space<semaphore_mem>>) src(%dma_wait3A_170 : memref<1048576xi32, #tpu.memory_space<hbm>>) dst(%dma_wait3A_166 : memref<512xi32, #tpu.memory_space<vmem>>)
    %dma_wait3A_171 = arith.constant 6144 : i32
    %dma_wait3A_172 = tpu.memref_slice %arg8[%dma_wait3A_171] : memref<8192xi32, #tpu.memory_space<vmem>> -> memref<512xi32, #tpu.memory_space<vmem>>
    %dma_wait3A_173 = arith.constant 12582912 : i32
    %dma_wait3A_174 = tpu.memref_slice %arg3[%dma_wait3A_173] : memref<16777216xi32, #tpu.memory_space<hbm>> -> memref<1048576xi32, #tpu.memory_space<hbm>>
    %dma_wait3A_175 = arith.constant 0 : i32
    %dma_wait3A_176 = tpu.memref_slice %dma_wait3A_174[%dma_wait3A_175] : memref<1048576xi32, #tpu.memory_space<hbm>> -> memref<1048576xi32, #tpu.memory_space<hbm>>
    tpu.wait_indirect_dma semaphore(%arg10 : memref<!tpu.dma_semaphore, #tpu.memory_space<semaphore_mem>>) src(%dma_wait3A_176 : memref<1048576xi32, #tpu.memory_space<hbm>>) dst(%dma_wait3A_172 : memref<512xi32, #tpu.memory_space<vmem>>)
    %dma_wait3A_177 = arith.constant 6656 : i32
    %dma_wait3A_178 = tpu.memref_slice %arg8[%dma_wait3A_177] : memref<8192xi32, #tpu.memory_space<vmem>> -> memref<512xi32, #tpu.memory_space<vmem>>
    %dma_wait3A_179 = arith.constant 13631488 : i32
    %dma_wait3A_180 = tpu.memref_slice %arg3[%dma_wait3A_179] : memref<16777216xi32, #tpu.memory_space<hbm>> -> memref<1048576xi32, #tpu.memory_space<hbm>>
    %dma_wait3A_181 = arith.constant 0 : i32
    %dma_wait3A_182 = tpu.memref_slice %dma_wait3A_180[%dma_wait3A_181] : memref<1048576xi32, #tpu.memory_space<hbm>> -> memref<1048576xi32, #tpu.memory_space<hbm>>
    tpu.wait_indirect_dma semaphore(%arg10 : memref<!tpu.dma_semaphore, #tpu.memory_space<semaphore_mem>>) src(%dma_wait3A_182 : memref<1048576xi32, #tpu.memory_space<hbm>>) dst(%dma_wait3A_178 : memref<512xi32, #tpu.memory_space<vmem>>)
    %dma_wait3A_183 = arith.constant 7168 : i32
    %dma_wait3A_184 = tpu.memref_slice %arg8[%dma_wait3A_183] : memref<8192xi32, #tpu.memory_space<vmem>> -> memref<512xi32, #tpu.memory_space<vmem>>
    %dma_wait3A_185 = arith.constant 14680064 : i32
    %dma_wait3A_186 = tpu.memref_slice %arg3[%dma_wait3A_185] : memref<16777216xi32, #tpu.memory_space<hbm>> -> memref<1048576xi32, #tpu.memory_space<hbm>>
    %dma_wait3A_187 = arith.constant 0 : i32
    %dma_wait3A_188 = tpu.memref_slice %dma_wait3A_186[%dma_wait3A_187] : memref<1048576xi32, #tpu.memory_space<hbm>> -> memref<1048576xi32, #tpu.memory_space<hbm>>
    tpu.wait_indirect_dma semaphore(%arg10 : memref<!tpu.dma_semaphore, #tpu.memory_space<semaphore_mem>>) src(%dma_wait3A_188 : memref<1048576xi32, #tpu.memory_space<hbm>>) dst(%dma_wait3A_184 : memref<512xi32, #tpu.memory_space<vmem>>)
    %dma_wait3A_189 = arith.constant 7680 : i32
    %dma_wait3A_190 = tpu.memref_slice %arg8[%dma_wait3A_189] : memref<8192xi32, #tpu.memory_space<vmem>> -> memref<512xi32, #tpu.memory_space<vmem>>
    %dma_wait3A_191 = arith.constant 15728640 : i32
    %dma_wait3A_192 = tpu.memref_slice %arg3[%dma_wait3A_191] : memref<16777216xi32, #tpu.memory_space<hbm>> -> memref<1048576xi32, #tpu.memory_space<hbm>>
    %dma_wait3A_193 = arith.constant 0 : i32
    %dma_wait3A_194 = tpu.memref_slice %dma_wait3A_192[%dma_wait3A_193] : memref<1048576xi32, #tpu.memory_space<hbm>> -> memref<1048576xi32, #tpu.memory_space<hbm>>
    tpu.wait_indirect_dma semaphore(%arg10 : memref<!tpu.dma_semaphore, #tpu.memory_space<semaphore_mem>>) src(%dma_wait3A_194 : memref<1048576xi32, #tpu.memory_space<hbm>>) dst(%dma_wait3A_190 : memref<512xi32, #tpu.memory_space<vmem>>)
    %dma_wait3A_195 = arith.constant 0 : i32
    %dma_wait3A_196 = tpu.memref_slice %arg4[%dma_wait3A_195] : memref<1000000xf32, #tpu.memory_space<hbm>> -> memref<1000000xf32, #tpu.memory_space<hbm>>
    tpu.wait_indirect_dma semaphore(%arg10 : memref<!tpu.dma_semaphore, #tpu.memory_space<semaphore_mem>>) src(%dma_wait3A_196 : memref<1000000xf32, #tpu.memory_space<hbm>>) dst(%arg9 : memref<512xf32, #tpu.memory_space<vmem>>)
    %mul3A_197 = arith.constant 16 : i32
    %mul3A_198 = arith.muli %add3A, %mul3A_197 : i32
    %mul3A_199 = arith.constant 512 : i32
    %mul3A_200 = arith.muli %mul3A_198, %mul3A_199 : i32
    "tpu.region"() ({
      %run_scoped3A = tpu.sem_alloc : memref<!tpu.dma_semaphore, #tpu.memory_space<semaphore_mem>>
      %dma_start3A_201 = tpu.memref_slice %arg5[%mul3A_200] : memref<262144xi32, #tpu.memory_space<hbm>> -> memref<8192xi32, #tpu.memory_space<hbm>>
      %dma_start3A_202 = tpu.memref_slice %arg5[%mul3A_200] : memref<262144xi32, #tpu.memory_space<hbm>> -> memref<8192xi32, #tpu.memory_space<hbm>>
      tpu.enqueue_dma source(%arg8 : memref<8192xi32, #tpu.memory_space<vmem>>) target(%dma_start3A_202 : memref<8192xi32, #tpu.memory_space<hbm>>) target_semaphore(%run_scoped3A : memref<!tpu.dma_semaphore, #tpu.memory_space<semaphore_mem>>)
      %dma_wait3A_203 = tpu.memref_slice %arg5[%mul3A_200] : memref<262144xi32, #tpu.memory_space<hbm>> -> memref<8192xi32, #tpu.memory_space<hbm>>
      %dma_wait3A_204 = tpu.memref_slice %arg5[%mul3A_200] : memref<262144xi32, #tpu.memory_space<hbm>> -> memref<8192xi32, #tpu.memory_space<hbm>>
      tpu.wait_dma2 semaphore(%run_scoped3A : memref<!tpu.dma_semaphore, #tpu.memory_space<semaphore_mem>>) src(%arg8 : memref<8192xi32, #tpu.memory_space<vmem>>) dst(%dma_wait3A_204 : memref<8192xi32, #tpu.memory_space<hbm>>)
      tpu.yield
    }) : () -> ()
    "tpu.region"() ({
      %run_scoped3A = tpu.sem_alloc : memref<!tpu.dma_semaphore, #tpu.memory_space<semaphore_mem>>
      %dma_start3A_201 = tpu.memref_slice %arg6[%mul3A_2] : memref<16384xf32, #tpu.memory_space<hbm>> -> memref<512xf32, #tpu.memory_space<hbm>>
      %dma_start3A_202 = tpu.memref_slice %arg6[%mul3A_2] : memref<16384xf32, #tpu.memory_space<hbm>> -> memref<512xf32, #tpu.memory_space<hbm>>
      tpu.enqueue_dma source(%arg9 : memref<512xf32, #tpu.memory_space<vmem>>) target(%dma_start3A_202 : memref<512xf32, #tpu.memory_space<hbm>>) target_semaphore(%run_scoped3A : memref<!tpu.dma_semaphore, #tpu.memory_space<semaphore_mem>>)
      %dma_wait3A_203 = tpu.memref_slice %arg6[%mul3A_2] : memref<16384xf32, #tpu.memory_space<hbm>> -> memref<512xf32, #tpu.memory_space<hbm>>
      %dma_wait3A_204 = tpu.memref_slice %arg6[%mul3A_2] : memref<16384xf32, #tpu.memory_space<hbm>> -> memref<512xf32, #tpu.memory_space<hbm>>
      tpu.wait_dma2 semaphore(%run_scoped3A : memref<!tpu.dma_semaphore, #tpu.memory_space<semaphore_mem>>) src(%arg9 : memref<512xf32, #tpu.memory_space<vmem>>) dst(%dma_wait3A_204 : memref<512xf32, #tpu.memory_space<hbm>>)
      tpu.yield
    }) : () -> ()
    return
  }
}

#map = affine_map<(d0, d1) -> (0)>
module attributes {stable_mosaic.version = 14 : i64} {
  func.func @k(%arg0: i32, %arg1: i32, %arg2: memref<16384xi32, #tpu.memory_space<hbm>>, %arg3: memref<16777216xi32, #tpu.memory_space<hbm>>, %arg4: memref<1000000xf32, #tpu.memory_space<hbm>>, %arg5: memref<262144xi32, #tpu.memory_space<hbm>>, %arg6: memref<16384xf32, #tpu.memory_space<hbm>>, %arg7: memref<16xf32, #tpu.memory_space<hbm>>, %arg8: memref<16384xf32, #tpu.memory_space<hbm>>, %arg9: memref<512xi32, #tpu.memory_space<vmem>>, %arg10: memref<8192xi32, #tpu.memory_space<vmem>>, %arg11: memref<8192xi32, #tpu.memory_space<vmem>>, %arg12: memref<512xf32, #tpu.memory_space<vmem>>, %arg13: memref<512xf32, #tpu.memory_space<vmem>>, %arg14: memref<16xf32, #tpu.memory_space<vmem>>, %arg15: memref<512xf32, #tpu.memory_space<vmem>>, %arg16: memref<!tpu.dma_semaphore, #tpu.memory_space<semaphore_mem>>) attributes {dimension_semantics = [#tpu.dimension_semantics<core_parallel>, #tpu.dimension_semantics<subcore_parallel>], iteration_bounds = array<i64: 2, 16>, scalar_prefetch = 0 : i64, scratch_operands = 8 : i64, tpu.core_type = #tpu.core_type<sc_vector_subcore>, window_params = [{transform_indices = #map}, {transform_indices = #map}, {transform_indices = #map}, {transform_indices = #map}, {transform_indices = #map}, {transform_indices = #map}, {transform_indices = #map}]} {
    %mul3A = arith.constant 2 : i32
    %mul3A_0 = arith.muli %arg1, %mul3A : i32
    %add3A = arith.addi %mul3A_0, %arg0 : i32
    %mul3A_1 = arith.constant 512 : i32
    %mul3A_2 = arith.muli %add3A, %mul3A_1 : i32
    "tpu.region"() ({
      %run_scoped3A = tpu.sem_alloc : memref<!tpu.dma_semaphore, #tpu.memory_space<semaphore_mem>>
      %dma_start3A_208 = tpu.memref_slice %arg2[%mul3A_2] : memref<16384xi32, #tpu.memory_space<hbm>> -> memref<512xi32, #tpu.memory_space<hbm>>
      %dma_start3A_209 = tpu.memref_slice %arg2[%mul3A_2] : memref<16384xi32, #tpu.memory_space<hbm>> -> memref<512xi32, #tpu.memory_space<hbm>>
      tpu.enqueue_dma source(%dma_start3A_209 : memref<512xi32, #tpu.memory_space<hbm>>) target(%arg9 : memref<512xi32, #tpu.memory_space<vmem>>) target_semaphore(%run_scoped3A : memref<!tpu.dma_semaphore, #tpu.memory_space<semaphore_mem>>)
      %dma_wait3A_210 = tpu.memref_slice %arg2[%mul3A_2] : memref<16384xi32, #tpu.memory_space<hbm>> -> memref<512xi32, #tpu.memory_space<hbm>>
      %dma_wait3A_211 = tpu.memref_slice %arg2[%mul3A_2] : memref<16384xi32, #tpu.memory_space<hbm>> -> memref<512xi32, #tpu.memory_space<hbm>>
      tpu.wait_dma2 semaphore(%run_scoped3A : memref<!tpu.dma_semaphore, #tpu.memory_space<semaphore_mem>>) src(%dma_wait3A_211 : memref<512xi32, #tpu.memory_space<hbm>>) dst(%arg9 : memref<512xi32, #tpu.memory_space<vmem>>)
      tpu.yield
    }) : () -> ()
    %dma_start3A = arith.constant 0 : i32
    %dma_start3A_3 = tpu.memref_slice %arg10[%dma_start3A] : memref<8192xi32, #tpu.memory_space<vmem>> -> memref<512xi32, #tpu.memory_space<vmem>>
    %dma_start3A_4 = arith.constant 0 : i32
    %dma_start3A_5 = tpu.memref_slice %arg3[%dma_start3A_4] : memref<16777216xi32, #tpu.memory_space<hbm>> -> memref<1048576xi32, #tpu.memory_space<hbm>>
    %dma_start3A_6 = arith.constant 0 : i32
    %dma_start3A_7 = tpu.memref_slice %dma_start3A_5[%dma_start3A_6] : memref<1048576xi32, #tpu.memory_space<hbm>> -> memref<1048576xi32, #tpu.memory_space<hbm>>
    tpu.enqueue_indirect_dma source(%dma_start3A_7 : memref<1048576xi32, #tpu.memory_space<hbm>>) target(%dma_start3A_3 : memref<512xi32, #tpu.memory_space<vmem>>) offsets(%arg9 : memref<512xi32, #tpu.memory_space<vmem>>) semaphore(%arg16 : memref<!tpu.dma_semaphore, #tpu.memory_space<semaphore_mem>>)
    %dma_start3A_8 = arith.constant 512 : i32
    %dma_start3A_9 = tpu.memref_slice %arg10[%dma_start3A_8] : memref<8192xi32, #tpu.memory_space<vmem>> -> memref<512xi32, #tpu.memory_space<vmem>>
    %dma_start3A_10 = arith.constant 1048576 : i32
    %dma_start3A_11 = tpu.memref_slice %arg3[%dma_start3A_10] : memref<16777216xi32, #tpu.memory_space<hbm>> -> memref<1048576xi32, #tpu.memory_space<hbm>>
    %dma_start3A_12 = arith.constant 0 : i32
    %dma_start3A_13 = tpu.memref_slice %dma_start3A_11[%dma_start3A_12] : memref<1048576xi32, #tpu.memory_space<hbm>> -> memref<1048576xi32, #tpu.memory_space<hbm>>
    tpu.enqueue_indirect_dma source(%dma_start3A_13 : memref<1048576xi32, #tpu.memory_space<hbm>>) target(%dma_start3A_9 : memref<512xi32, #tpu.memory_space<vmem>>) offsets(%arg9 : memref<512xi32, #tpu.memory_space<vmem>>) semaphore(%arg16 : memref<!tpu.dma_semaphore, #tpu.memory_space<semaphore_mem>>)
    %dma_start3A_14 = arith.constant 1024 : i32
    %dma_start3A_15 = tpu.memref_slice %arg10[%dma_start3A_14] : memref<8192xi32, #tpu.memory_space<vmem>> -> memref<512xi32, #tpu.memory_space<vmem>>
    %dma_start3A_16 = arith.constant 2097152 : i32
    %dma_start3A_17 = tpu.memref_slice %arg3[%dma_start3A_16] : memref<16777216xi32, #tpu.memory_space<hbm>> -> memref<1048576xi32, #tpu.memory_space<hbm>>
    %dma_start3A_18 = arith.constant 0 : i32
    %dma_start3A_19 = tpu.memref_slice %dma_start3A_17[%dma_start3A_18] : memref<1048576xi32, #tpu.memory_space<hbm>> -> memref<1048576xi32, #tpu.memory_space<hbm>>
    tpu.enqueue_indirect_dma source(%dma_start3A_19 : memref<1048576xi32, #tpu.memory_space<hbm>>) target(%dma_start3A_15 : memref<512xi32, #tpu.memory_space<vmem>>) offsets(%arg9 : memref<512xi32, #tpu.memory_space<vmem>>) semaphore(%arg16 : memref<!tpu.dma_semaphore, #tpu.memory_space<semaphore_mem>>)
    %dma_start3A_20 = arith.constant 1536 : i32
    %dma_start3A_21 = tpu.memref_slice %arg10[%dma_start3A_20] : memref<8192xi32, #tpu.memory_space<vmem>> -> memref<512xi32, #tpu.memory_space<vmem>>
    %dma_start3A_22 = arith.constant 3145728 : i32
    %dma_start3A_23 = tpu.memref_slice %arg3[%dma_start3A_22] : memref<16777216xi32, #tpu.memory_space<hbm>> -> memref<1048576xi32, #tpu.memory_space<hbm>>
    %dma_start3A_24 = arith.constant 0 : i32
    %dma_start3A_25 = tpu.memref_slice %dma_start3A_23[%dma_start3A_24] : memref<1048576xi32, #tpu.memory_space<hbm>> -> memref<1048576xi32, #tpu.memory_space<hbm>>
    tpu.enqueue_indirect_dma source(%dma_start3A_25 : memref<1048576xi32, #tpu.memory_space<hbm>>) target(%dma_start3A_21 : memref<512xi32, #tpu.memory_space<vmem>>) offsets(%arg9 : memref<512xi32, #tpu.memory_space<vmem>>) semaphore(%arg16 : memref<!tpu.dma_semaphore, #tpu.memory_space<semaphore_mem>>)
    %dma_start3A_26 = arith.constant 2048 : i32
    %dma_start3A_27 = tpu.memref_slice %arg10[%dma_start3A_26] : memref<8192xi32, #tpu.memory_space<vmem>> -> memref<512xi32, #tpu.memory_space<vmem>>
    %dma_start3A_28 = arith.constant 4194304 : i32
    %dma_start3A_29 = tpu.memref_slice %arg3[%dma_start3A_28] : memref<16777216xi32, #tpu.memory_space<hbm>> -> memref<1048576xi32, #tpu.memory_space<hbm>>
    %dma_start3A_30 = arith.constant 0 : i32
    %dma_start3A_31 = tpu.memref_slice %dma_start3A_29[%dma_start3A_30] : memref<1048576xi32, #tpu.memory_space<hbm>> -> memref<1048576xi32, #tpu.memory_space<hbm>>
    tpu.enqueue_indirect_dma source(%dma_start3A_31 : memref<1048576xi32, #tpu.memory_space<hbm>>) target(%dma_start3A_27 : memref<512xi32, #tpu.memory_space<vmem>>) offsets(%arg9 : memref<512xi32, #tpu.memory_space<vmem>>) semaphore(%arg16 : memref<!tpu.dma_semaphore, #tpu.memory_space<semaphore_mem>>)
    %dma_start3A_32 = arith.constant 2560 : i32
    %dma_start3A_33 = tpu.memref_slice %arg10[%dma_start3A_32] : memref<8192xi32, #tpu.memory_space<vmem>> -> memref<512xi32, #tpu.memory_space<vmem>>
    %dma_start3A_34 = arith.constant 5242880 : i32
    %dma_start3A_35 = tpu.memref_slice %arg3[%dma_start3A_34] : memref<16777216xi32, #tpu.memory_space<hbm>> -> memref<1048576xi32, #tpu.memory_space<hbm>>
    %dma_start3A_36 = arith.constant 0 : i32
    %dma_start3A_37 = tpu.memref_slice %dma_start3A_35[%dma_start3A_36] : memref<1048576xi32, #tpu.memory_space<hbm>> -> memref<1048576xi32, #tpu.memory_space<hbm>>
    tpu.enqueue_indirect_dma source(%dma_start3A_37 : memref<1048576xi32, #tpu.memory_space<hbm>>) target(%dma_start3A_33 : memref<512xi32, #tpu.memory_space<vmem>>) offsets(%arg9 : memref<512xi32, #tpu.memory_space<vmem>>) semaphore(%arg16 : memref<!tpu.dma_semaphore, #tpu.memory_space<semaphore_mem>>)
    %dma_start3A_38 = arith.constant 3072 : i32
    %dma_start3A_39 = tpu.memref_slice %arg10[%dma_start3A_38] : memref<8192xi32, #tpu.memory_space<vmem>> -> memref<512xi32, #tpu.memory_space<vmem>>
    %dma_start3A_40 = arith.constant 6291456 : i32
    %dma_start3A_41 = tpu.memref_slice %arg3[%dma_start3A_40] : memref<16777216xi32, #tpu.memory_space<hbm>> -> memref<1048576xi32, #tpu.memory_space<hbm>>
    %dma_start3A_42 = arith.constant 0 : i32
    %dma_start3A_43 = tpu.memref_slice %dma_start3A_41[%dma_start3A_42] : memref<1048576xi32, #tpu.memory_space<hbm>> -> memref<1048576xi32, #tpu.memory_space<hbm>>
    tpu.enqueue_indirect_dma source(%dma_start3A_43 : memref<1048576xi32, #tpu.memory_space<hbm>>) target(%dma_start3A_39 : memref<512xi32, #tpu.memory_space<vmem>>) offsets(%arg9 : memref<512xi32, #tpu.memory_space<vmem>>) semaphore(%arg16 : memref<!tpu.dma_semaphore, #tpu.memory_space<semaphore_mem>>)
    %dma_start3A_44 = arith.constant 3584 : i32
    %dma_start3A_45 = tpu.memref_slice %arg10[%dma_start3A_44] : memref<8192xi32, #tpu.memory_space<vmem>> -> memref<512xi32, #tpu.memory_space<vmem>>
    %dma_start3A_46 = arith.constant 7340032 : i32
    %dma_start3A_47 = tpu.memref_slice %arg3[%dma_start3A_46] : memref<16777216xi32, #tpu.memory_space<hbm>> -> memref<1048576xi32, #tpu.memory_space<hbm>>
    %dma_start3A_48 = arith.constant 0 : i32
    %dma_start3A_49 = tpu.memref_slice %dma_start3A_47[%dma_start3A_48] : memref<1048576xi32, #tpu.memory_space<hbm>> -> memref<1048576xi32, #tpu.memory_space<hbm>>
    tpu.enqueue_indirect_dma source(%dma_start3A_49 : memref<1048576xi32, #tpu.memory_space<hbm>>) target(%dma_start3A_45 : memref<512xi32, #tpu.memory_space<vmem>>) offsets(%arg9 : memref<512xi32, #tpu.memory_space<vmem>>) semaphore(%arg16 : memref<!tpu.dma_semaphore, #tpu.memory_space<semaphore_mem>>)
    %dma_start3A_50 = arith.constant 4096 : i32
    %dma_start3A_51 = tpu.memref_slice %arg10[%dma_start3A_50] : memref<8192xi32, #tpu.memory_space<vmem>> -> memref<512xi32, #tpu.memory_space<vmem>>
    %dma_start3A_52 = arith.constant 8388608 : i32
    %dma_start3A_53 = tpu.memref_slice %arg3[%dma_start3A_52] : memref<16777216xi32, #tpu.memory_space<hbm>> -> memref<1048576xi32, #tpu.memory_space<hbm>>
    %dma_start3A_54 = arith.constant 0 : i32
    %dma_start3A_55 = tpu.memref_slice %dma_start3A_53[%dma_start3A_54] : memref<1048576xi32, #tpu.memory_space<hbm>> -> memref<1048576xi32, #tpu.memory_space<hbm>>
    tpu.enqueue_indirect_dma source(%dma_start3A_55 : memref<1048576xi32, #tpu.memory_space<hbm>>) target(%dma_start3A_51 : memref<512xi32, #tpu.memory_space<vmem>>) offsets(%arg9 : memref<512xi32, #tpu.memory_space<vmem>>) semaphore(%arg16 : memref<!tpu.dma_semaphore, #tpu.memory_space<semaphore_mem>>)
    %dma_start3A_56 = arith.constant 4608 : i32
    %dma_start3A_57 = tpu.memref_slice %arg10[%dma_start3A_56] : memref<8192xi32, #tpu.memory_space<vmem>> -> memref<512xi32, #tpu.memory_space<vmem>>
    %dma_start3A_58 = arith.constant 9437184 : i32
    %dma_start3A_59 = tpu.memref_slice %arg3[%dma_start3A_58] : memref<16777216xi32, #tpu.memory_space<hbm>> -> memref<1048576xi32, #tpu.memory_space<hbm>>
    %dma_start3A_60 = arith.constant 0 : i32
    %dma_start3A_61 = tpu.memref_slice %dma_start3A_59[%dma_start3A_60] : memref<1048576xi32, #tpu.memory_space<hbm>> -> memref<1048576xi32, #tpu.memory_space<hbm>>
    tpu.enqueue_indirect_dma source(%dma_start3A_61 : memref<1048576xi32, #tpu.memory_space<hbm>>) target(%dma_start3A_57 : memref<512xi32, #tpu.memory_space<vmem>>) offsets(%arg9 : memref<512xi32, #tpu.memory_space<vmem>>) semaphore(%arg16 : memref<!tpu.dma_semaphore, #tpu.memory_space<semaphore_mem>>)
    %dma_start3A_62 = arith.constant 5120 : i32
    %dma_start3A_63 = tpu.memref_slice %arg10[%dma_start3A_62] : memref<8192xi32, #tpu.memory_space<vmem>> -> memref<512xi32, #tpu.memory_space<vmem>>
    %dma_start3A_64 = arith.constant 10485760 : i32
    %dma_start3A_65 = tpu.memref_slice %arg3[%dma_start3A_64] : memref<16777216xi32, #tpu.memory_space<hbm>> -> memref<1048576xi32, #tpu.memory_space<hbm>>
    %dma_start3A_66 = arith.constant 0 : i32
    %dma_start3A_67 = tpu.memref_slice %dma_start3A_65[%dma_start3A_66] : memref<1048576xi32, #tpu.memory_space<hbm>> -> memref<1048576xi32, #tpu.memory_space<hbm>>
    tpu.enqueue_indirect_dma source(%dma_start3A_67 : memref<1048576xi32, #tpu.memory_space<hbm>>) target(%dma_start3A_63 : memref<512xi32, #tpu.memory_space<vmem>>) offsets(%arg9 : memref<512xi32, #tpu.memory_space<vmem>>) semaphore(%arg16 : memref<!tpu.dma_semaphore, #tpu.memory_space<semaphore_mem>>)
    %dma_start3A_68 = arith.constant 5632 : i32
    %dma_start3A_69 = tpu.memref_slice %arg10[%dma_start3A_68] : memref<8192xi32, #tpu.memory_space<vmem>> -> memref<512xi32, #tpu.memory_space<vmem>>
    %dma_start3A_70 = arith.constant 11534336 : i32
    %dma_start3A_71 = tpu.memref_slice %arg3[%dma_start3A_70] : memref<16777216xi32, #tpu.memory_space<hbm>> -> memref<1048576xi32, #tpu.memory_space<hbm>>
    %dma_start3A_72 = arith.constant 0 : i32
    %dma_start3A_73 = tpu.memref_slice %dma_start3A_71[%dma_start3A_72] : memref<1048576xi32, #tpu.memory_space<hbm>> -> memref<1048576xi32, #tpu.memory_space<hbm>>
    tpu.enqueue_indirect_dma source(%dma_start3A_73 : memref<1048576xi32, #tpu.memory_space<hbm>>) target(%dma_start3A_69 : memref<512xi32, #tpu.memory_space<vmem>>) offsets(%arg9 : memref<512xi32, #tpu.memory_space<vmem>>) semaphore(%arg16 : memref<!tpu.dma_semaphore, #tpu.memory_space<semaphore_mem>>)
    %dma_start3A_74 = arith.constant 6144 : i32
    %dma_start3A_75 = tpu.memref_slice %arg10[%dma_start3A_74] : memref<8192xi32, #tpu.memory_space<vmem>> -> memref<512xi32, #tpu.memory_space<vmem>>
    %dma_start3A_76 = arith.constant 12582912 : i32
    %dma_start3A_77 = tpu.memref_slice %arg3[%dma_start3A_76] : memref<16777216xi32, #tpu.memory_space<hbm>> -> memref<1048576xi32, #tpu.memory_space<hbm>>
    %dma_start3A_78 = arith.constant 0 : i32
    %dma_start3A_79 = tpu.memref_slice %dma_start3A_77[%dma_start3A_78] : memref<1048576xi32, #tpu.memory_space<hbm>> -> memref<1048576xi32, #tpu.memory_space<hbm>>
    tpu.enqueue_indirect_dma source(%dma_start3A_79 : memref<1048576xi32, #tpu.memory_space<hbm>>) target(%dma_start3A_75 : memref<512xi32, #tpu.memory_space<vmem>>) offsets(%arg9 : memref<512xi32, #tpu.memory_space<vmem>>) semaphore(%arg16 : memref<!tpu.dma_semaphore, #tpu.memory_space<semaphore_mem>>)
    %dma_start3A_80 = arith.constant 6656 : i32
    %dma_start3A_81 = tpu.memref_slice %arg10[%dma_start3A_80] : memref<8192xi32, #tpu.memory_space<vmem>> -> memref<512xi32, #tpu.memory_space<vmem>>
    %dma_start3A_82 = arith.constant 13631488 : i32
    %dma_start3A_83 = tpu.memref_slice %arg3[%dma_start3A_82] : memref<16777216xi32, #tpu.memory_space<hbm>> -> memref<1048576xi32, #tpu.memory_space<hbm>>
    %dma_start3A_84 = arith.constant 0 : i32
    %dma_start3A_85 = tpu.memref_slice %dma_start3A_83[%dma_start3A_84] : memref<1048576xi32, #tpu.memory_space<hbm>> -> memref<1048576xi32, #tpu.memory_space<hbm>>
    tpu.enqueue_indirect_dma source(%dma_start3A_85 : memref<1048576xi32, #tpu.memory_space<hbm>>) target(%dma_start3A_81 : memref<512xi32, #tpu.memory_space<vmem>>) offsets(%arg9 : memref<512xi32, #tpu.memory_space<vmem>>) semaphore(%arg16 : memref<!tpu.dma_semaphore, #tpu.memory_space<semaphore_mem>>)
    %dma_start3A_86 = arith.constant 7168 : i32
    %dma_start3A_87 = tpu.memref_slice %arg10[%dma_start3A_86] : memref<8192xi32, #tpu.memory_space<vmem>> -> memref<512xi32, #tpu.memory_space<vmem>>
    %dma_start3A_88 = arith.constant 14680064 : i32
    %dma_start3A_89 = tpu.memref_slice %arg3[%dma_start3A_88] : memref<16777216xi32, #tpu.memory_space<hbm>> -> memref<1048576xi32, #tpu.memory_space<hbm>>
    %dma_start3A_90 = arith.constant 0 : i32
    %dma_start3A_91 = tpu.memref_slice %dma_start3A_89[%dma_start3A_90] : memref<1048576xi32, #tpu.memory_space<hbm>> -> memref<1048576xi32, #tpu.memory_space<hbm>>
    tpu.enqueue_indirect_dma source(%dma_start3A_91 : memref<1048576xi32, #tpu.memory_space<hbm>>) target(%dma_start3A_87 : memref<512xi32, #tpu.memory_space<vmem>>) offsets(%arg9 : memref<512xi32, #tpu.memory_space<vmem>>) semaphore(%arg16 : memref<!tpu.dma_semaphore, #tpu.memory_space<semaphore_mem>>)
    %dma_start3A_92 = arith.constant 7680 : i32
    %dma_start3A_93 = tpu.memref_slice %arg10[%dma_start3A_92] : memref<8192xi32, #tpu.memory_space<vmem>> -> memref<512xi32, #tpu.memory_space<vmem>>
    %dma_start3A_94 = arith.constant 15728640 : i32
    %dma_start3A_95 = tpu.memref_slice %arg3[%dma_start3A_94] : memref<16777216xi32, #tpu.memory_space<hbm>> -> memref<1048576xi32, #tpu.memory_space<hbm>>
    %dma_start3A_96 = arith.constant 0 : i32
    %dma_start3A_97 = tpu.memref_slice %dma_start3A_95[%dma_start3A_96] : memref<1048576xi32, #tpu.memory_space<hbm>> -> memref<1048576xi32, #tpu.memory_space<hbm>>
    tpu.enqueue_indirect_dma source(%dma_start3A_97 : memref<1048576xi32, #tpu.memory_space<hbm>>) target(%dma_start3A_93 : memref<512xi32, #tpu.memory_space<vmem>>) offsets(%arg9 : memref<512xi32, #tpu.memory_space<vmem>>) semaphore(%arg16 : memref<!tpu.dma_semaphore, #tpu.memory_space<semaphore_mem>>)
    %dma_start3A_98 = arith.constant 0 : i32
    %dma_start3A_99 = tpu.memref_slice %arg4[%dma_start3A_98] : memref<1000000xf32, #tpu.memory_space<hbm>> -> memref<1000000xf32, #tpu.memory_space<hbm>>
    tpu.enqueue_indirect_dma source(%dma_start3A_99 : memref<1000000xf32, #tpu.memory_space<hbm>>) target(%arg12 : memref<512xf32, #tpu.memory_space<vmem>>) offsets(%arg9 : memref<512xi32, #tpu.memory_space<vmem>>) semaphore(%arg16 : memref<!tpu.dma_semaphore, #tpu.memory_space<semaphore_mem>>)
    %mul3A_100 = arith.constant 16 : i32
    %mul3A_101 = arith.muli %add3A, %mul3A_100 : i32
    %mul3A_102 = arith.constant 512 : i32
    %mul3A_103 = arith.muli %mul3A_101, %mul3A_102 : i32
    "tpu.region"() ({
      %run_scoped3A = tpu.sem_alloc : memref<!tpu.dma_semaphore, #tpu.memory_space<semaphore_mem>>
      %dma_start3A_208 = tpu.memref_slice %arg5[%mul3A_103] : memref<262144xi32, #tpu.memory_space<hbm>> -> memref<8192xi32, #tpu.memory_space<hbm>>
      %dma_start3A_209 = tpu.memref_slice %arg5[%mul3A_103] : memref<262144xi32, #tpu.memory_space<hbm>> -> memref<8192xi32, #tpu.memory_space<hbm>>
      tpu.enqueue_dma source(%dma_start3A_209 : memref<8192xi32, #tpu.memory_space<hbm>>) target(%arg11 : memref<8192xi32, #tpu.memory_space<vmem>>) target_semaphore(%run_scoped3A : memref<!tpu.dma_semaphore, #tpu.memory_space<semaphore_mem>>)
      %dma_wait3A_210 = tpu.memref_slice %arg5[%mul3A_103] : memref<262144xi32, #tpu.memory_space<hbm>> -> memref<8192xi32, #tpu.memory_space<hbm>>
      %dma_wait3A_211 = tpu.memref_slice %arg5[%mul3A_103] : memref<262144xi32, #tpu.memory_space<hbm>> -> memref<8192xi32, #tpu.memory_space<hbm>>
      tpu.wait_dma2 semaphore(%run_scoped3A : memref<!tpu.dma_semaphore, #tpu.memory_space<semaphore_mem>>) src(%dma_wait3A_211 : memref<8192xi32, #tpu.memory_space<hbm>>) dst(%arg11 : memref<8192xi32, #tpu.memory_space<vmem>>)
      tpu.yield
    }) : () -> ()
    "tpu.region"() ({
      %run_scoped3A = tpu.sem_alloc : memref<!tpu.dma_semaphore, #tpu.memory_space<semaphore_mem>>
      %dma_start3A_208 = tpu.memref_slice %arg6[%mul3A_2] : memref<16384xf32, #tpu.memory_space<hbm>> -> memref<512xf32, #tpu.memory_space<hbm>>
      %dma_start3A_209 = tpu.memref_slice %arg6[%mul3A_2] : memref<16384xf32, #tpu.memory_space<hbm>> -> memref<512xf32, #tpu.memory_space<hbm>>
      tpu.enqueue_dma source(%dma_start3A_209 : memref<512xf32, #tpu.memory_space<hbm>>) target(%arg13 : memref<512xf32, #tpu.memory_space<vmem>>) target_semaphore(%run_scoped3A : memref<!tpu.dma_semaphore, #tpu.memory_space<semaphore_mem>>)
      %dma_wait3A_210 = tpu.memref_slice %arg6[%mul3A_2] : memref<16384xf32, #tpu.memory_space<hbm>> -> memref<512xf32, #tpu.memory_space<hbm>>
      %dma_wait3A_211 = tpu.memref_slice %arg6[%mul3A_2] : memref<16384xf32, #tpu.memory_space<hbm>> -> memref<512xf32, #tpu.memory_space<hbm>>
      tpu.wait_dma2 semaphore(%run_scoped3A : memref<!tpu.dma_semaphore, #tpu.memory_space<semaphore_mem>>) src(%dma_wait3A_211 : memref<512xf32, #tpu.memory_space<hbm>>) dst(%arg13 : memref<512xf32, #tpu.memory_space<vmem>>)
      tpu.yield
    }) : () -> ()
    "tpu.region"() ({
      %run_scoped3A = tpu.sem_alloc : memref<!tpu.dma_semaphore, #tpu.memory_space<semaphore_mem>>
      tpu.enqueue_dma source(%arg7 : memref<16xf32, #tpu.memory_space<hbm>>) target(%arg14 : memref<16xf32, #tpu.memory_space<vmem>>) target_semaphore(%run_scoped3A : memref<!tpu.dma_semaphore, #tpu.memory_space<semaphore_mem>>)
      tpu.wait_dma2 semaphore(%run_scoped3A : memref<!tpu.dma_semaphore, #tpu.memory_space<semaphore_mem>>) src(%arg7 : memref<16xf32, #tpu.memory_space<hbm>>) dst(%arg14 : memref<16xf32, #tpu.memory_space<vmem>>)
      tpu.yield
    }) : () -> ()
    %dma_wait3A = arith.constant 0 : i32
    %dma_wait3A_104 = tpu.memref_slice %arg10[%dma_wait3A] : memref<8192xi32, #tpu.memory_space<vmem>> -> memref<512xi32, #tpu.memory_space<vmem>>
    %dma_wait3A_105 = arith.constant 0 : i32
    %dma_wait3A_106 = tpu.memref_slice %arg3[%dma_wait3A_105] : memref<16777216xi32, #tpu.memory_space<hbm>> -> memref<1048576xi32, #tpu.memory_space<hbm>>
    %dma_wait3A_107 = arith.constant 0 : i32
    %dma_wait3A_108 = tpu.memref_slice %dma_wait3A_106[%dma_wait3A_107] : memref<1048576xi32, #tpu.memory_space<hbm>> -> memref<1048576xi32, #tpu.memory_space<hbm>>
    tpu.wait_indirect_dma semaphore(%arg16 : memref<!tpu.dma_semaphore, #tpu.memory_space<semaphore_mem>>) src(%dma_wait3A_108 : memref<1048576xi32, #tpu.memory_space<hbm>>) dst(%dma_wait3A_104 : memref<512xi32, #tpu.memory_space<vmem>>)
    %dma_wait3A_109 = arith.constant 512 : i32
    %dma_wait3A_110 = tpu.memref_slice %arg10[%dma_wait3A_109] : memref<8192xi32, #tpu.memory_space<vmem>> -> memref<512xi32, #tpu.memory_space<vmem>>
    %dma_wait3A_111 = arith.constant 1048576 : i32
    %dma_wait3A_112 = tpu.memref_slice %arg3[%dma_wait3A_111] : memref<16777216xi32, #tpu.memory_space<hbm>> -> memref<1048576xi32, #tpu.memory_space<hbm>>
    %dma_wait3A_113 = arith.constant 0 : i32
    %dma_wait3A_114 = tpu.memref_slice %dma_wait3A_112[%dma_wait3A_113] : memref<1048576xi32, #tpu.memory_space<hbm>> -> memref<1048576xi32, #tpu.memory_space<hbm>>
    tpu.wait_indirect_dma semaphore(%arg16 : memref<!tpu.dma_semaphore, #tpu.memory_space<semaphore_mem>>) src(%dma_wait3A_114 : memref<1048576xi32, #tpu.memory_space<hbm>>) dst(%dma_wait3A_110 : memref<512xi32, #tpu.memory_space<vmem>>)
    %dma_wait3A_115 = arith.constant 1024 : i32
    %dma_wait3A_116 = tpu.memref_slice %arg10[%dma_wait3A_115] : memref<8192xi32, #tpu.memory_space<vmem>> -> memref<512xi32, #tpu.memory_space<vmem>>
    %dma_wait3A_117 = arith.constant 2097152 : i32
    %dma_wait3A_118 = tpu.memref_slice %arg3[%dma_wait3A_117] : memref<16777216xi32, #tpu.memory_space<hbm>> -> memref<1048576xi32, #tpu.memory_space<hbm>>
    %dma_wait3A_119 = arith.constant 0 : i32
    %dma_wait3A_120 = tpu.memref_slice %dma_wait3A_118[%dma_wait3A_119] : memref<1048576xi32, #tpu.memory_space<hbm>> -> memref<1048576xi32, #tpu.memory_space<hbm>>
    tpu.wait_indirect_dma semaphore(%arg16 : memref<!tpu.dma_semaphore, #tpu.memory_space<semaphore_mem>>) src(%dma_wait3A_120 : memref<1048576xi32, #tpu.memory_space<hbm>>) dst(%dma_wait3A_116 : memref<512xi32, #tpu.memory_space<vmem>>)
    %dma_wait3A_121 = arith.constant 1536 : i32
    %dma_wait3A_122 = tpu.memref_slice %arg10[%dma_wait3A_121] : memref<8192xi32, #tpu.memory_space<vmem>> -> memref<512xi32, #tpu.memory_space<vmem>>
    %dma_wait3A_123 = arith.constant 3145728 : i32
    %dma_wait3A_124 = tpu.memref_slice %arg3[%dma_wait3A_123] : memref<16777216xi32, #tpu.memory_space<hbm>> -> memref<1048576xi32, #tpu.memory_space<hbm>>
    %dma_wait3A_125 = arith.constant 0 : i32
    %dma_wait3A_126 = tpu.memref_slice %dma_wait3A_124[%dma_wait3A_125] : memref<1048576xi32, #tpu.memory_space<hbm>> -> memref<1048576xi32, #tpu.memory_space<hbm>>
    tpu.wait_indirect_dma semaphore(%arg16 : memref<!tpu.dma_semaphore, #tpu.memory_space<semaphore_mem>>) src(%dma_wait3A_126 : memref<1048576xi32, #tpu.memory_space<hbm>>) dst(%dma_wait3A_122 : memref<512xi32, #tpu.memory_space<vmem>>)
    %dma_wait3A_127 = arith.constant 2048 : i32
    %dma_wait3A_128 = tpu.memref_slice %arg10[%dma_wait3A_127] : memref<8192xi32, #tpu.memory_space<vmem>> -> memref<512xi32, #tpu.memory_space<vmem>>
    %dma_wait3A_129 = arith.constant 4194304 : i32
    %dma_wait3A_130 = tpu.memref_slice %arg3[%dma_wait3A_129] : memref<16777216xi32, #tpu.memory_space<hbm>> -> memref<1048576xi32, #tpu.memory_space<hbm>>
    %dma_wait3A_131 = arith.constant 0 : i32
    %dma_wait3A_132 = tpu.memref_slice %dma_wait3A_130[%dma_wait3A_131] : memref<1048576xi32, #tpu.memory_space<hbm>> -> memref<1048576xi32, #tpu.memory_space<hbm>>
    tpu.wait_indirect_dma semaphore(%arg16 : memref<!tpu.dma_semaphore, #tpu.memory_space<semaphore_mem>>) src(%dma_wait3A_132 : memref<1048576xi32, #tpu.memory_space<hbm>>) dst(%dma_wait3A_128 : memref<512xi32, #tpu.memory_space<vmem>>)
    %dma_wait3A_133 = arith.constant 2560 : i32
    %dma_wait3A_134 = tpu.memref_slice %arg10[%dma_wait3A_133] : memref<8192xi32, #tpu.memory_space<vmem>> -> memref<512xi32, #tpu.memory_space<vmem>>
    %dma_wait3A_135 = arith.constant 5242880 : i32
    %dma_wait3A_136 = tpu.memref_slice %arg3[%dma_wait3A_135] : memref<16777216xi32, #tpu.memory_space<hbm>> -> memref<1048576xi32, #tpu.memory_space<hbm>>
    %dma_wait3A_137 = arith.constant 0 : i32
    %dma_wait3A_138 = tpu.memref_slice %dma_wait3A_136[%dma_wait3A_137] : memref<1048576xi32, #tpu.memory_space<hbm>> -> memref<1048576xi32, #tpu.memory_space<hbm>>
    tpu.wait_indirect_dma semaphore(%arg16 : memref<!tpu.dma_semaphore, #tpu.memory_space<semaphore_mem>>) src(%dma_wait3A_138 : memref<1048576xi32, #tpu.memory_space<hbm>>) dst(%dma_wait3A_134 : memref<512xi32, #tpu.memory_space<vmem>>)
    %dma_wait3A_139 = arith.constant 3072 : i32
    %dma_wait3A_140 = tpu.memref_slice %arg10[%dma_wait3A_139] : memref<8192xi32, #tpu.memory_space<vmem>> -> memref<512xi32, #tpu.memory_space<vmem>>
    %dma_wait3A_141 = arith.constant 6291456 : i32
    %dma_wait3A_142 = tpu.memref_slice %arg3[%dma_wait3A_141] : memref<16777216xi32, #tpu.memory_space<hbm>> -> memref<1048576xi32, #tpu.memory_space<hbm>>
    %dma_wait3A_143 = arith.constant 0 : i32
    %dma_wait3A_144 = tpu.memref_slice %dma_wait3A_142[%dma_wait3A_143] : memref<1048576xi32, #tpu.memory_space<hbm>> -> memref<1048576xi32, #tpu.memory_space<hbm>>
    tpu.wait_indirect_dma semaphore(%arg16 : memref<!tpu.dma_semaphore, #tpu.memory_space<semaphore_mem>>) src(%dma_wait3A_144 : memref<1048576xi32, #tpu.memory_space<hbm>>) dst(%dma_wait3A_140 : memref<512xi32, #tpu.memory_space<vmem>>)
    %dma_wait3A_145 = arith.constant 3584 : i32
    %dma_wait3A_146 = tpu.memref_slice %arg10[%dma_wait3A_145] : memref<8192xi32, #tpu.memory_space<vmem>> -> memref<512xi32, #tpu.memory_space<vmem>>
    %dma_wait3A_147 = arith.constant 7340032 : i32
    %dma_wait3A_148 = tpu.memref_slice %arg3[%dma_wait3A_147] : memref<16777216xi32, #tpu.memory_space<hbm>> -> memref<1048576xi32, #tpu.memory_space<hbm>>
    %dma_wait3A_149 = arith.constant 0 : i32
    %dma_wait3A_150 = tpu.memref_slice %dma_wait3A_148[%dma_wait3A_149] : memref<1048576xi32, #tpu.memory_space<hbm>> -> memref<1048576xi32, #tpu.memory_space<hbm>>
    tpu.wait_indirect_dma semaphore(%arg16 : memref<!tpu.dma_semaphore, #tpu.memory_space<semaphore_mem>>) src(%dma_wait3A_150 : memref<1048576xi32, #tpu.memory_space<hbm>>) dst(%dma_wait3A_146 : memref<512xi32, #tpu.memory_space<vmem>>)
    %dma_wait3A_151 = arith.constant 4096 : i32
    %dma_wait3A_152 = tpu.memref_slice %arg10[%dma_wait3A_151] : memref<8192xi32, #tpu.memory_space<vmem>> -> memref<512xi32, #tpu.memory_space<vmem>>
    %dma_wait3A_153 = arith.constant 8388608 : i32
    %dma_wait3A_154 = tpu.memref_slice %arg3[%dma_wait3A_153] : memref<16777216xi32, #tpu.memory_space<hbm>> -> memref<1048576xi32, #tpu.memory_space<hbm>>
    %dma_wait3A_155 = arith.constant 0 : i32
    %dma_wait3A_156 = tpu.memref_slice %dma_wait3A_154[%dma_wait3A_155] : memref<1048576xi32, #tpu.memory_space<hbm>> -> memref<1048576xi32, #tpu.memory_space<hbm>>
    tpu.wait_indirect_dma semaphore(%arg16 : memref<!tpu.dma_semaphore, #tpu.memory_space<semaphore_mem>>) src(%dma_wait3A_156 : memref<1048576xi32, #tpu.memory_space<hbm>>) dst(%dma_wait3A_152 : memref<512xi32, #tpu.memory_space<vmem>>)
    %dma_wait3A_157 = arith.constant 4608 : i32
    %dma_wait3A_158 = tpu.memref_slice %arg10[%dma_wait3A_157] : memref<8192xi32, #tpu.memory_space<vmem>> -> memref<512xi32, #tpu.memory_space<vmem>>
    %dma_wait3A_159 = arith.constant 9437184 : i32
    %dma_wait3A_160 = tpu.memref_slice %arg3[%dma_wait3A_159] : memref<16777216xi32, #tpu.memory_space<hbm>> -> memref<1048576xi32, #tpu.memory_space<hbm>>
    %dma_wait3A_161 = arith.constant 0 : i32
    %dma_wait3A_162 = tpu.memref_slice %dma_wait3A_160[%dma_wait3A_161] : memref<1048576xi32, #tpu.memory_space<hbm>> -> memref<1048576xi32, #tpu.memory_space<hbm>>
    tpu.wait_indirect_dma semaphore(%arg16 : memref<!tpu.dma_semaphore, #tpu.memory_space<semaphore_mem>>) src(%dma_wait3A_162 : memref<1048576xi32, #tpu.memory_space<hbm>>) dst(%dma_wait3A_158 : memref<512xi32, #tpu.memory_space<vmem>>)
    %dma_wait3A_163 = arith.constant 5120 : i32
    %dma_wait3A_164 = tpu.memref_slice %arg10[%dma_wait3A_163] : memref<8192xi32, #tpu.memory_space<vmem>> -> memref<512xi32, #tpu.memory_space<vmem>>
    %dma_wait3A_165 = arith.constant 10485760 : i32
    %dma_wait3A_166 = tpu.memref_slice %arg3[%dma_wait3A_165] : memref<16777216xi32, #tpu.memory_space<hbm>> -> memref<1048576xi32, #tpu.memory_space<hbm>>
    %dma_wait3A_167 = arith.constant 0 : i32
    %dma_wait3A_168 = tpu.memref_slice %dma_wait3A_166[%dma_wait3A_167] : memref<1048576xi32, #tpu.memory_space<hbm>> -> memref<1048576xi32, #tpu.memory_space<hbm>>
    tpu.wait_indirect_dma semaphore(%arg16 : memref<!tpu.dma_semaphore, #tpu.memory_space<semaphore_mem>>) src(%dma_wait3A_168 : memref<1048576xi32, #tpu.memory_space<hbm>>) dst(%dma_wait3A_164 : memref<512xi32, #tpu.memory_space<vmem>>)
    %dma_wait3A_169 = arith.constant 5632 : i32
    %dma_wait3A_170 = tpu.memref_slice %arg10[%dma_wait3A_169] : memref<8192xi32, #tpu.memory_space<vmem>> -> memref<512xi32, #tpu.memory_space<vmem>>
    %dma_wait3A_171 = arith.constant 11534336 : i32
    %dma_wait3A_172 = tpu.memref_slice %arg3[%dma_wait3A_171] : memref<16777216xi32, #tpu.memory_space<hbm>> -> memref<1048576xi32, #tpu.memory_space<hbm>>
    %dma_wait3A_173 = arith.constant 0 : i32
    %dma_wait3A_174 = tpu.memref_slice %dma_wait3A_172[%dma_wait3A_173] : memref<1048576xi32, #tpu.memory_space<hbm>> -> memref<1048576xi32, #tpu.memory_space<hbm>>
    tpu.wait_indirect_dma semaphore(%arg16 : memref<!tpu.dma_semaphore, #tpu.memory_space<semaphore_mem>>) src(%dma_wait3A_174 : memref<1048576xi32, #tpu.memory_space<hbm>>) dst(%dma_wait3A_170 : memref<512xi32, #tpu.memory_space<vmem>>)
    %dma_wait3A_175 = arith.constant 6144 : i32
    %dma_wait3A_176 = tpu.memref_slice %arg10[%dma_wait3A_175] : memref<8192xi32, #tpu.memory_space<vmem>> -> memref<512xi32, #tpu.memory_space<vmem>>
    %dma_wait3A_177 = arith.constant 12582912 : i32
    %dma_wait3A_178 = tpu.memref_slice %arg3[%dma_wait3A_177] : memref<16777216xi32, #tpu.memory_space<hbm>> -> memref<1048576xi32, #tpu.memory_space<hbm>>
    %dma_wait3A_179 = arith.constant 0 : i32
    %dma_wait3A_180 = tpu.memref_slice %dma_wait3A_178[%dma_wait3A_179] : memref<1048576xi32, #tpu.memory_space<hbm>> -> memref<1048576xi32, #tpu.memory_space<hbm>>
    tpu.wait_indirect_dma semaphore(%arg16 : memref<!tpu.dma_semaphore, #tpu.memory_space<semaphore_mem>>) src(%dma_wait3A_180 : memref<1048576xi32, #tpu.memory_space<hbm>>) dst(%dma_wait3A_176 : memref<512xi32, #tpu.memory_space<vmem>>)
    %dma_wait3A_181 = arith.constant 6656 : i32
    %dma_wait3A_182 = tpu.memref_slice %arg10[%dma_wait3A_181] : memref<8192xi32, #tpu.memory_space<vmem>> -> memref<512xi32, #tpu.memory_space<vmem>>
    %dma_wait3A_183 = arith.constant 13631488 : i32
    %dma_wait3A_184 = tpu.memref_slice %arg3[%dma_wait3A_183] : memref<16777216xi32, #tpu.memory_space<hbm>> -> memref<1048576xi32, #tpu.memory_space<hbm>>
    %dma_wait3A_185 = arith.constant 0 : i32
    %dma_wait3A_186 = tpu.memref_slice %dma_wait3A_184[%dma_wait3A_185] : memref<1048576xi32, #tpu.memory_space<hbm>> -> memref<1048576xi32, #tpu.memory_space<hbm>>
    tpu.wait_indirect_dma semaphore(%arg16 : memref<!tpu.dma_semaphore, #tpu.memory_space<semaphore_mem>>) src(%dma_wait3A_186 : memref<1048576xi32, #tpu.memory_space<hbm>>) dst(%dma_wait3A_182 : memref<512xi32, #tpu.memory_space<vmem>>)
    %dma_wait3A_187 = arith.constant 7168 : i32
    %dma_wait3A_188 = tpu.memref_slice %arg10[%dma_wait3A_187] : memref<8192xi32, #tpu.memory_space<vmem>> -> memref<512xi32, #tpu.memory_space<vmem>>
    %dma_wait3A_189 = arith.constant 14680064 : i32
    %dma_wait3A_190 = tpu.memref_slice %arg3[%dma_wait3A_189] : memref<16777216xi32, #tpu.memory_space<hbm>> -> memref<1048576xi32, #tpu.memory_space<hbm>>
    %dma_wait3A_191 = arith.constant 0 : i32
    %dma_wait3A_192 = tpu.memref_slice %dma_wait3A_190[%dma_wait3A_191] : memref<1048576xi32, #tpu.memory_space<hbm>> -> memref<1048576xi32, #tpu.memory_space<hbm>>
    tpu.wait_indirect_dma semaphore(%arg16 : memref<!tpu.dma_semaphore, #tpu.memory_space<semaphore_mem>>) src(%dma_wait3A_192 : memref<1048576xi32, #tpu.memory_space<hbm>>) dst(%dma_wait3A_188 : memref<512xi32, #tpu.memory_space<vmem>>)
    %dma_wait3A_193 = arith.constant 7680 : i32
    %dma_wait3A_194 = tpu.memref_slice %arg10[%dma_wait3A_193] : memref<8192xi32, #tpu.memory_space<vmem>> -> memref<512xi32, #tpu.memory_space<vmem>>
    %dma_wait3A_195 = arith.constant 15728640 : i32
    %dma_wait3A_196 = tpu.memref_slice %arg3[%dma_wait3A_195] : memref<16777216xi32, #tpu.memory_space<hbm>> -> memref<1048576xi32, #tpu.memory_space<hbm>>
    %dma_wait3A_197 = arith.constant 0 : i32
    %dma_wait3A_198 = tpu.memref_slice %dma_wait3A_196[%dma_wait3A_197] : memref<1048576xi32, #tpu.memory_space<hbm>> -> memref<1048576xi32, #tpu.memory_space<hbm>>
    tpu.wait_indirect_dma semaphore(%arg16 : memref<!tpu.dma_semaphore, #tpu.memory_space<semaphore_mem>>) src(%dma_wait3A_198 : memref<1048576xi32, #tpu.memory_space<hbm>>) dst(%dma_wait3A_194 : memref<512xi32, #tpu.memory_space<vmem>>)
    %dma_wait3A_199 = arith.constant 0 : i32
    %dma_wait3A_200 = tpu.memref_slice %arg4[%dma_wait3A_199] : memref<1000000xf32, #tpu.memory_space<hbm>> -> memref<1000000xf32, #tpu.memory_space<hbm>>
    tpu.wait_indirect_dma semaphore(%arg16 : memref<!tpu.dma_semaphore, #tpu.memory_space<semaphore_mem>>) src(%dma_wait3A_200 : memref<1000000xf32, #tpu.memory_space<hbm>>) dst(%arg12 : memref<512xf32, #tpu.memory_space<vmem>>)
    %get3A = arith.constant 0 : index
    %get3A_201 = tpu.vector_load %arg14[%get3A] {strides = array<i32>} : memref<16xf32, #tpu.memory_space<vmem>>, vector<16xf32>,
    %broadcast_in_dim3A = arith.constant -65536 : i32
    %broadcast_in_dim3A_202 = vector.broadcast %broadcast_in_dim3A : i32 to vector<16xi32>
    %scan3A = arith.constant 0 : i32
    %scan3A_203 = arith.constant 0 : i32
    %scan3A_204 = arith.constant 32 : i32
    %scan3A_205 = arith.addi %scan3A_203, %scan3A_204 : i32
    %scan3A_206 = arith.constant 1 : i32
    scf.for %scan3A_208 = %scan3A_203 to %scan3A_205 step %scan3A_206  : i32 {
      %mul3A_209 = arith.constant 16 : i32
      %mul3A_210 = arith.muli %scan3A_208, %mul3A_209 : i32
      %broadcast_in_dim3A_211 = arith.constant 0.000000e+00 : f32
      %broadcast_in_dim3A_212 = vector.broadcast %broadcast_in_dim3A_211 : f32 to vector<16xf32>
      %add3A_213 = arith.constant 0 : i32
      %add3A_214 = arith.addi %add3A_213, %mul3A_210 : i32
      %get3A_215 = arith.index_cast %add3A_214 : i32 to index
      %get3A_216 = tpu.vector_load %arg11[%get3A_215] {strides = array<i32>} : memref<8192xi32, #tpu.memory_space<vmem>>, vector<16xi32>,
      %shift_left3A = arith.constant 16 : i32
      %shift_left3A_217 = vector.broadcast %shift_left3A : i32 to vector<16xi32>
      %shift_left3A_218 = arith.shli %get3A_216, %shift_left3A_217 : vector<16xi32>
      %bitcast3A = vector.bitcast %shift_left3A_218 : vector<16xi32> to vector<16xf32>
      %and3A = arith.andi %get3A_216, %broadcast_in_dim3A_202 : vector<16xi32>
      %bitcast3A_219 = vector.bitcast %and3A : vector<16xi32> to vector<16xf32>
      %get3A_220 = arith.index_cast %add3A_214 : i32 to index
      %get3A_221 = tpu.vector_load %arg10[%get3A_220] {strides = array<i32>} : memref<8192xi32, #tpu.memory_space<vmem>>, vector<16xi32>,
      %shift_left3A_222 = arith.constant 16 : i32
      %shift_left3A_223 = vector.broadcast %shift_left3A_222 : i32 to vector<16xi32>
      %shift_left3A_224 = arith.shli %get3A_221, %shift_left3A_223 : vector<16xi32>
      %bitcast3A_225 = vector.bitcast %shift_left3A_224 : vector<16xi32> to vector<16xf32>
      %and3A_226 = arith.andi %get3A_221, %broadcast_in_dim3A_202 : vector<16xi32>
      %bitcast3A_227 = vector.bitcast %and3A_226 : vector<16xi32> to vector<16xf32>
      %mul3A_228 = arith.mulf %bitcast3A, %bitcast3A_225 : vector<16xf32>
      %add3A_229 = arith.addf %broadcast_in_dim3A_212, %mul3A_228 : vector<16xf32>
      %mul3A_230 = arith.mulf %bitcast3A_219, %bitcast3A_227 : vector<16xf32>
      %add3A_231 = arith.addf %add3A_229, %mul3A_230 : vector<16xf32>
      %add3A_232 = arith.constant 512 : i32
      %add3A_233 = arith.addi %add3A_232, %mul3A_210 : i32
      %get3A_234 = arith.index_cast %add3A_233 : i32 to index
      %get3A_235 = tpu.vector_load %arg11[%get3A_234] {strides = array<i32>} : memref<8192xi32, #tpu.memory_space<vmem>>, vector<16xi32>,
      %shift_left3A_236 = arith.constant 16 : i32
      %shift_left3A_237 = vector.broadcast %shift_left3A_236 : i32 to vector<16xi32>
      %shift_left3A_238 = arith.shli %get3A_235, %shift_left3A_237 : vector<16xi32>
      %bitcast3A_239 = vector.bitcast %shift_left3A_238 : vector<16xi32> to vector<16xf32>
      %and3A_240 = arith.andi %get3A_235, %broadcast_in_dim3A_202 : vector<16xi32>
      %bitcast3A_241 = vector.bitcast %and3A_240 : vector<16xi32> to vector<16xf32>
      %get3A_242 = arith.index_cast %add3A_233 : i32 to index
      %get3A_243 = tpu.vector_load %arg10[%get3A_242] {strides = array<i32>} : memref<8192xi32, #tpu.memory_space<vmem>>, vector<16xi32>,
      %shift_left3A_244 = arith.constant 16 : i32
      %shift_left3A_245 = vector.broadcast %shift_left3A_244 : i32 to vector<16xi32>
      %shift_left3A_246 = arith.shli %get3A_243, %shift_left3A_245 : vector<16xi32>
      %bitcast3A_247 = vector.bitcast %shift_left3A_246 : vector<16xi32> to vector<16xf32>
      %and3A_248 = arith.andi %get3A_243, %broadcast_in_dim3A_202 : vector<16xi32>
      %bitcast3A_249 = vector.bitcast %and3A_248 : vector<16xi32> to vector<16xf32>
      %mul3A_250 = arith.mulf %bitcast3A_239, %bitcast3A_247 : vector<16xf32>
      %add3A_251 = arith.addf %add3A_231, %mul3A_250 : vector<16xf32>
      %mul3A_252 = arith.mulf %bitcast3A_241, %bitcast3A_249 : vector<16xf32>
      %add3A_253 = arith.addf %add3A_251, %mul3A_252 : vector<16xf32>
      %add3A_254 = arith.constant 1024 : i32
      %add3A_255 = arith.addi %add3A_254, %mul3A_210 : i32
      %get3A_256 = arith.index_cast %add3A_255 : i32 to index
      %get3A_257 = tpu.vector_load %arg11[%get3A_256] {strides = array<i32>} : memref<8192xi32, #tpu.memory_space<vmem>>, vector<16xi32>,
      %shift_left3A_258 = arith.constant 16 : i32
      %shift_left3A_259 = vector.broadcast %shift_left3A_258 : i32 to vector<16xi32>
      %shift_left3A_260 = arith.shli %get3A_257, %shift_left3A_259 : vector<16xi32>
      %bitcast3A_261 = vector.bitcast %shift_left3A_260 : vector<16xi32> to vector<16xf32>
      %and3A_262 = arith.andi %get3A_257, %broadcast_in_dim3A_202 : vector<16xi32>
      %bitcast3A_263 = vector.bitcast %and3A_262 : vector<16xi32> to vector<16xf32>
      %get3A_264 = arith.index_cast %add3A_255 : i32 to index
      %get3A_265 = tpu.vector_load %arg10[%get3A_264] {strides = array<i32>} : memref<8192xi32, #tpu.memory_space<vmem>>, vector<16xi32>,
      %shift_left3A_266 = arith.constant 16 : i32
      %shift_left3A_267 = vector.broadcast %shift_left3A_266 : i32 to vector<16xi32>
      %shift_left3A_268 = arith.shli %get3A_265, %shift_left3A_267 : vector<16xi32>
      %bitcast3A_269 = vector.bitcast %shift_left3A_268 : vector<16xi32> to vector<16xf32>
      %and3A_270 = arith.andi %get3A_265, %broadcast_in_dim3A_202 : vector<16xi32>
      %bitcast3A_271 = vector.bitcast %and3A_270 : vector<16xi32> to vector<16xf32>
      %mul3A_272 = arith.mulf %bitcast3A_261, %bitcast3A_269 : vector<16xf32>
      %add3A_273 = arith.addf %add3A_253, %mul3A_272 : vector<16xf32>
      %mul3A_274 = arith.mulf %bitcast3A_263, %bitcast3A_271 : vector<16xf32>
      %add3A_275 = arith.addf %add3A_273, %mul3A_274 : vector<16xf32>
      %add3A_276 = arith.constant 1536 : i32
      %add3A_277 = arith.addi %add3A_276, %mul3A_210 : i32
      %get3A_278 = arith.index_cast %add3A_277 : i32 to index
      %get3A_279 = tpu.vector_load %arg11[%get3A_278] {strides = array<i32>} : memref<8192xi32, #tpu.memory_space<vmem>>, vector<16xi32>,
      %shift_left3A_280 = arith.constant 16 : i32
      %shift_left3A_281 = vector.broadcast %shift_left3A_280 : i32 to vector<16xi32>
      %shift_left3A_282 = arith.shli %get3A_279, %shift_left3A_281 : vector<16xi32>
      %bitcast3A_283 = vector.bitcast %shift_left3A_282 : vector<16xi32> to vector<16xf32>
      %and3A_284 = arith.andi %get3A_279, %broadcast_in_dim3A_202 : vector<16xi32>
      %bitcast3A_285 = vector.bitcast %and3A_284 : vector<16xi32> to vector<16xf32>
      %get3A_286 = arith.index_cast %add3A_277 : i32 to index
      %get3A_287 = tpu.vector_load %arg10[%get3A_286] {strides = array<i32>} : memref<8192xi32, #tpu.memory_space<vmem>>, vector<16xi32>,
      %shift_left3A_288 = arith.constant 16 : i32
      %shift_left3A_289 = vector.broadcast %shift_left3A_288 : i32 to vector<16xi32>
      %shift_left3A_290 = arith.shli %get3A_287, %shift_left3A_289 : vector<16xi32>
      %bitcast3A_291 = vector.bitcast %shift_left3A_290 : vector<16xi32> to vector<16xf32>
      %and3A_292 = arith.andi %get3A_287, %broadcast_in_dim3A_202 : vector<16xi32>
      %bitcast3A_293 = vector.bitcast %and3A_292 : vector<16xi32> to vector<16xf32>
      %mul3A_294 = arith.mulf %bitcast3A_283, %bitcast3A_291 : vector<16xf32>
      %add3A_295 = arith.addf %add3A_275, %mul3A_294 : vector<16xf32>
      %mul3A_296 = arith.mulf %bitcast3A_285, %bitcast3A_293 : vector<16xf32>
      %add3A_297 = arith.addf %add3A_295, %mul3A_296 : vector<16xf32>
      %add3A_298 = arith.constant 2048 : i32
      %add3A_299 = arith.addi %add3A_298, %mul3A_210 : i32
      %get3A_300 = arith.index_cast %add3A_299 : i32 to index
      %get3A_301 = tpu.vector_load %arg11[%get3A_300] {strides = array<i32>} : memref<8192xi32, #tpu.memory_space<vmem>>, vector<16xi32>,
      %shift_left3A_302 = arith.constant 16 : i32
      %shift_left3A_303 = vector.broadcast %shift_left3A_302 : i32 to vector<16xi32>
      %shift_left3A_304 = arith.shli %get3A_301, %shift_left3A_303 : vector<16xi32>
      %bitcast3A_305 = vector.bitcast %shift_left3A_304 : vector<16xi32> to vector<16xf32>
      %and3A_306 = arith.andi %get3A_301, %broadcast_in_dim3A_202 : vector<16xi32>
      %bitcast3A_307 = vector.bitcast %and3A_306 : vector<16xi32> to vector<16xf32>
      %get3A_308 = arith.index_cast %add3A_299 : i32 to index
      %get3A_309 = tpu.vector_load %arg10[%get3A_308] {strides = array<i32>} : memref<8192xi32, #tpu.memory_space<vmem>>, vector<16xi32>,
      %shift_left3A_310 = arith.constant 16 : i32
      %shift_left3A_311 = vector.broadcast %shift_left3A_310 : i32 to vector<16xi32>
      %shift_left3A_312 = arith.shli %get3A_309, %shift_left3A_311 : vector<16xi32>
      %bitcast3A_313 = vector.bitcast %shift_left3A_312 : vector<16xi32> to vector<16xf32>
      %and3A_314 = arith.andi %get3A_309, %broadcast_in_dim3A_202 : vector<16xi32>
      %bitcast3A_315 = vector.bitcast %and3A_314 : vector<16xi32> to vector<16xf32>
      %mul3A_316 = arith.mulf %bitcast3A_305, %bitcast3A_313 : vector<16xf32>
      %add3A_317 = arith.addf %add3A_297, %mul3A_316 : vector<16xf32>
      %mul3A_318 = arith.mulf %bitcast3A_307, %bitcast3A_315 : vector<16xf32>
      %add3A_319 = arith.addf %add3A_317, %mul3A_318 : vector<16xf32>
      %add3A_320 = arith.constant 2560 : i32
      %add3A_321 = arith.addi %add3A_320, %mul3A_210 : i32
      %get3A_322 = arith.index_cast %add3A_321 : i32 to index
      %get3A_323 = tpu.vector_load %arg11[%get3A_322] {strides = array<i32>} : memref<8192xi32, #tpu.memory_space<vmem>>, vector<16xi32>,
      %shift_left3A_324 = arith.constant 16 : i32
      %shift_left3A_325 = vector.broadcast %shift_left3A_324 : i32 to vector<16xi32>
      %shift_left3A_326 = arith.shli %get3A_323, %shift_left3A_325 : vector<16xi32>
      %bitcast3A_327 = vector.bitcast %shift_left3A_326 : vector<16xi32> to vector<16xf32>
      %and3A_328 = arith.andi %get3A_323, %broadcast_in_dim3A_202 : vector<16xi32>
      %bitcast3A_329 = vector.bitcast %and3A_328 : vector<16xi32> to vector<16xf32>
      %get3A_330 = arith.index_cast %add3A_321 : i32 to index
      %get3A_331 = tpu.vector_load %arg10[%get3A_330] {strides = array<i32>} : memref<8192xi32, #tpu.memory_space<vmem>>, vector<16xi32>,
      %shift_left3A_332 = arith.constant 16 : i32
      %shift_left3A_333 = vector.broadcast %shift_left3A_332 : i32 to vector<16xi32>
      %shift_left3A_334 = arith.shli %get3A_331, %shift_left3A_333 : vector<16xi32>
      %bitcast3A_335 = vector.bitcast %shift_left3A_334 : vector<16xi32> to vector<16xf32>
      %and3A_336 = arith.andi %get3A_331, %broadcast_in_dim3A_202 : vector<16xi32>
      %bitcast3A_337 = vector.bitcast %and3A_336 : vector<16xi32> to vector<16xf32>
      %mul3A_338 = arith.mulf %bitcast3A_327, %bitcast3A_335 : vector<16xf32>
      %add3A_339 = arith.addf %add3A_319, %mul3A_338 : vector<16xf32>
      %mul3A_340 = arith.mulf %bitcast3A_329, %bitcast3A_337 : vector<16xf32>
      %add3A_341 = arith.addf %add3A_339, %mul3A_340 : vector<16xf32>
      %add3A_342 = arith.constant 3072 : i32
      %add3A_343 = arith.addi %add3A_342, %mul3A_210 : i32
      %get3A_344 = arith.index_cast %add3A_343 : i32 to index
      %get3A_345 = tpu.vector_load %arg11[%get3A_344] {strides = array<i32>} : memref<8192xi32, #tpu.memory_space<vmem>>, vector<16xi32>,
      %shift_left3A_346 = arith.constant 16 : i32
      %shift_left3A_347 = vector.broadcast %shift_left3A_346 : i32 to vector<16xi32>
      %shift_left3A_348 = arith.shli %get3A_345, %shift_left3A_347 : vector<16xi32>
      %bitcast3A_349 = vector.bitcast %shift_left3A_348 : vector<16xi32> to vector<16xf32>
      %and3A_350 = arith.andi %get3A_345, %broadcast_in_dim3A_202 : vector<16xi32>
      %bitcast3A_351 = vector.bitcast %and3A_350 : vector<16xi32> to vector<16xf32>
      %get3A_352 = arith.index_cast %add3A_343 : i32 to index
      %get3A_353 = tpu.vector_load %arg10[%get3A_352] {strides = array<i32>} : memref<8192xi32, #tpu.memory_space<vmem>>, vector<16xi32>,
      %shift_left3A_354 = arith.constant 16 : i32
      %shift_left3A_355 = vector.broadcast %shift_left3A_354 : i32 to vector<16xi32>
      %shift_left3A_356 = arith.shli %get3A_353, %shift_left3A_355 : vector<16xi32>
      %bitcast3A_357 = vector.bitcast %shift_left3A_356 : vector<16xi32> to vector<16xf32>
      %and3A_358 = arith.andi %get3A_353, %broadcast_in_dim3A_202 : vector<16xi32>
      %bitcast3A_359 = vector.bitcast %and3A_358 : vector<16xi32> to vector<16xf32>
      %mul3A_360 = arith.mulf %bitcast3A_349, %bitcast3A_357 : vector<16xf32>
      %add3A_361 = arith.addf %add3A_341, %mul3A_360 : vector<16xf32>
      %mul3A_362 = arith.mulf %bitcast3A_351, %bitcast3A_359 : vector<16xf32>
      %add3A_363 = arith.addf %add3A_361, %mul3A_362 : vector<16xf32>
      %add3A_364 = arith.constant 3584 : i32
      %add3A_365 = arith.addi %add3A_364, %mul3A_210 : i32
      %get3A_366 = arith.index_cast %add3A_365 : i32 to index
      %get3A_367 = tpu.vector_load %arg11[%get3A_366] {strides = array<i32>} : memref<8192xi32, #tpu.memory_space<vmem>>, vector<16xi32>,
      %shift_left3A_368 = arith.constant 16 : i32
      %shift_left3A_369 = vector.broadcast %shift_left3A_368 : i32 to vector<16xi32>
      %shift_left3A_370 = arith.shli %get3A_367, %shift_left3A_369 : vector<16xi32>
      %bitcast3A_371 = vector.bitcast %shift_left3A_370 : vector<16xi32> to vector<16xf32>
      %and3A_372 = arith.andi %get3A_367, %broadcast_in_dim3A_202 : vector<16xi32>
      %bitcast3A_373 = vector.bitcast %and3A_372 : vector<16xi32> to vector<16xf32>
      %get3A_374 = arith.index_cast %add3A_365 : i32 to index
      %get3A_375 = tpu.vector_load %arg10[%get3A_374] {strides = array<i32>} : memref<8192xi32, #tpu.memory_space<vmem>>, vector<16xi32>,
      %shift_left3A_376 = arith.constant 16 : i32
      %shift_left3A_377 = vector.broadcast %shift_left3A_376 : i32 to vector<16xi32>
      %shift_left3A_378 = arith.shli %get3A_375, %shift_left3A_377 : vector<16xi32>
      %bitcast3A_379 = vector.bitcast %shift_left3A_378 : vector<16xi32> to vector<16xf32>
      %and3A_380 = arith.andi %get3A_375, %broadcast_in_dim3A_202 : vector<16xi32>
      %bitcast3A_381 = vector.bitcast %and3A_380 : vector<16xi32> to vector<16xf32>
      %mul3A_382 = arith.mulf %bitcast3A_371, %bitcast3A_379 : vector<16xf32>
      %add3A_383 = arith.addf %add3A_363, %mul3A_382 : vector<16xf32>
      %mul3A_384 = arith.mulf %bitcast3A_373, %bitcast3A_381 : vector<16xf32>
      %add3A_385 = arith.addf %add3A_383, %mul3A_384 : vector<16xf32>
      %add3A_386 = arith.constant 4096 : i32
      %add3A_387 = arith.addi %add3A_386, %mul3A_210 : i32
      %get3A_388 = arith.index_cast %add3A_387 : i32 to index
      %get3A_389 = tpu.vector_load %arg11[%get3A_388] {strides = array<i32>} : memref<8192xi32, #tpu.memory_space<vmem>>, vector<16xi32>,
      %shift_left3A_390 = arith.constant 16 : i32
      %shift_left3A_391 = vector.broadcast %shift_left3A_390 : i32 to vector<16xi32>
      %shift_left3A_392 = arith.shli %get3A_389, %shift_left3A_391 : vector<16xi32>
      %bitcast3A_393 = vector.bitcast %shift_left3A_392 : vector<16xi32> to vector<16xf32>
      %and3A_394 = arith.andi %get3A_389, %broadcast_in_dim3A_202 : vector<16xi32>
      %bitcast3A_395 = vector.bitcast %and3A_394 : vector<16xi32> to vector<16xf32>
      %get3A_396 = arith.index_cast %add3A_387 : i32 to index
      %get3A_397 = tpu.vector_load %arg10[%get3A_396] {strides = array<i32>} : memref<8192xi32, #tpu.memory_space<vmem>>, vector<16xi32>,
      %shift_left3A_398 = arith.constant 16 : i32
      %shift_left3A_399 = vector.broadcast %shift_left3A_398 : i32 to vector<16xi32>
      %shift_left3A_400 = arith.shli %get3A_397, %shift_left3A_399 : vector<16xi32>
      %bitcast3A_401 = vector.bitcast %shift_left3A_400 : vector<16xi32> to vector<16xf32>
      %and3A_402 = arith.andi %get3A_397, %broadcast_in_dim3A_202 : vector<16xi32>
      %bitcast3A_403 = vector.bitcast %and3A_402 : vector<16xi32> to vector<16xf32>
      %mul3A_404 = arith.mulf %bitcast3A_393, %bitcast3A_401 : vector<16xf32>
      %add3A_405 = arith.addf %add3A_385, %mul3A_404 : vector<16xf32>
      %mul3A_406 = arith.mulf %bitcast3A_395, %bitcast3A_403 : vector<16xf32>
      %add3A_407 = arith.addf %add3A_405, %mul3A_406 : vector<16xf32>
      %add3A_408 = arith.constant 4608 : i32
      %add3A_409 = arith.addi %add3A_408, %mul3A_210 : i32
      %get3A_410 = arith.index_cast %add3A_409 : i32 to index
      %get3A_411 = tpu.vector_load %arg11[%get3A_410] {strides = array<i32>} : memref<8192xi32, #tpu.memory_space<vmem>>, vector<16xi32>,
      %shift_left3A_412 = arith.constant 16 : i32
      %shift_left3A_413 = vector.broadcast %shift_left3A_412 : i32 to vector<16xi32>
      %shift_left3A_414 = arith.shli %get3A_411, %shift_left3A_413 : vector<16xi32>
      %bitcast3A_415 = vector.bitcast %shift_left3A_414 : vector<16xi32> to vector<16xf32>
      %and3A_416 = arith.andi %get3A_411, %broadcast_in_dim3A_202 : vector<16xi32>
      %bitcast3A_417 = vector.bitcast %and3A_416 : vector<16xi32> to vector<16xf32>
      %get3A_418 = arith.index_cast %add3A_409 : i32 to index
      %get3A_419 = tpu.vector_load %arg10[%get3A_418] {strides = array<i32>} : memref<8192xi32, #tpu.memory_space<vmem>>, vector<16xi32>,
      %shift_left3A_420 = arith.constant 16 : i32
      %shift_left3A_421 = vector.broadcast %shift_left3A_420 : i32 to vector<16xi32>
      %shift_left3A_422 = arith.shli %get3A_419, %shift_left3A_421 : vector<16xi32>
      %bitcast3A_423 = vector.bitcast %shift_left3A_422 : vector<16xi32> to vector<16xf32>
      %and3A_424 = arith.andi %get3A_419, %broadcast_in_dim3A_202 : vector<16xi32>
      %bitcast3A_425 = vector.bitcast %and3A_424 : vector<16xi32> to vector<16xf32>
      %mul3A_426 = arith.mulf %bitcast3A_415, %bitcast3A_423 : vector<16xf32>
      %add3A_427 = arith.addf %add3A_407, %mul3A_426 : vector<16xf32>
      %mul3A_428 = arith.mulf %bitcast3A_417, %bitcast3A_425 : vector<16xf32>
      %add3A_429 = arith.addf %add3A_427, %mul3A_428 : vector<16xf32>
      %add3A_430 = arith.constant 5120 : i32
      %add3A_431 = arith.addi %add3A_430, %mul3A_210 : i32
      %get3A_432 = arith.index_cast %add3A_431 : i32 to index
      %get3A_433 = tpu.vector_load %arg11[%get3A_432] {strides = array<i32>} : memref<8192xi32, #tpu.memory_space<vmem>>, vector<16xi32>,
      %shift_left3A_434 = arith.constant 16 : i32
      %shift_left3A_435 = vector.broadcast %shift_left3A_434 : i32 to vector<16xi32>
      %shift_left3A_436 = arith.shli %get3A_433, %shift_left3A_435 : vector<16xi32>
      %bitcast3A_437 = vector.bitcast %shift_left3A_436 : vector<16xi32> to vector<16xf32>
      %and3A_438 = arith.andi %get3A_433, %broadcast_in_dim3A_202 : vector<16xi32>
      %bitcast3A_439 = vector.bitcast %and3A_438 : vector<16xi32> to vector<16xf32>
      %get3A_440 = arith.index_cast %add3A_431 : i32 to index
      %get3A_441 = tpu.vector_load %arg10[%get3A_440] {strides = array<i32>} : memref<8192xi32, #tpu.memory_space<vmem>>, vector<16xi32>,
      %shift_left3A_442 = arith.constant 16 : i32
      %shift_left3A_443 = vector.broadcast %shift_left3A_442 : i32 to vector<16xi32>
      %shift_left3A_444 = arith.shli %get3A_441, %shift_left3A_443 : vector<16xi32>
      %bitcast3A_445 = vector.bitcast %shift_left3A_444 : vector<16xi32> to vector<16xf32>
      %and3A_446 = arith.andi %get3A_441, %broadcast_in_dim3A_202 : vector<16xi32>
      %bitcast3A_447 = vector.bitcast %and3A_446 : vector<16xi32> to vector<16xf32>
      %mul3A_448 = arith.mulf %bitcast3A_437, %bitcast3A_445 : vector<16xf32>
      %add3A_449 = arith.addf %add3A_429, %mul3A_448 : vector<16xf32>
      %mul3A_450 = arith.mulf %bitcast3A_439, %bitcast3A_447 : vector<16xf32>
      %add3A_451 = arith.addf %add3A_449, %mul3A_450 : vector<16xf32>
      %add3A_452 = arith.constant 5632 : i32
      %add3A_453 = arith.addi %add3A_452, %mul3A_210 : i32
      %get3A_454 = arith.index_cast %add3A_453 : i32 to index
      %get3A_455 = tpu.vector_load %arg11[%get3A_454] {strides = array<i32>} : memref<8192xi32, #tpu.memory_space<vmem>>, vector<16xi32>,
      %shift_left3A_456 = arith.constant 16 : i32
      %shift_left3A_457 = vector.broadcast %shift_left3A_456 : i32 to vector<16xi32>
      %shift_left3A_458 = arith.shli %get3A_455, %shift_left3A_457 : vector<16xi32>
      %bitcast3A_459 = vector.bitcast %shift_left3A_458 : vector<16xi32> to vector<16xf32>
      %and3A_460 = arith.andi %get3A_455, %broadcast_in_dim3A_202 : vector<16xi32>
      %bitcast3A_461 = vector.bitcast %and3A_460 : vector<16xi32> to vector<16xf32>
      %get3A_462 = arith.index_cast %add3A_453 : i32 to index
      %get3A_463 = tpu.vector_load %arg10[%get3A_462] {strides = array<i32>} : memref<8192xi32, #tpu.memory_space<vmem>>, vector<16xi32>,
      %shift_left3A_464 = arith.constant 16 : i32
      %shift_left3A_465 = vector.broadcast %shift_left3A_464 : i32 to vector<16xi32>
      %shift_left3A_466 = arith.shli %get3A_463, %shift_left3A_465 : vector<16xi32>
      %bitcast3A_467 = vector.bitcast %shift_left3A_466 : vector<16xi32> to vector<16xf32>
      %and3A_468 = arith.andi %get3A_463, %broadcast_in_dim3A_202 : vector<16xi32>
      %bitcast3A_469 = vector.bitcast %and3A_468 : vector<16xi32> to vector<16xf32>
      %mul3A_470 = arith.mulf %bitcast3A_459, %bitcast3A_467 : vector<16xf32>
      %add3A_471 = arith.addf %add3A_451, %mul3A_470 : vector<16xf32>
      %mul3A_472 = arith.mulf %bitcast3A_461, %bitcast3A_469 : vector<16xf32>
      %add3A_473 = arith.addf %add3A_471, %mul3A_472 : vector<16xf32>
      %add3A_474 = arith.constant 6144 : i32
      %add3A_475 = arith.addi %add3A_474, %mul3A_210 : i32
      %get3A_476 = arith.index_cast %add3A_475 : i32 to index
      %get3A_477 = tpu.vector_load %arg11[%get3A_476] {strides = array<i32>} : memref<8192xi32, #tpu.memory_space<vmem>>, vector<16xi32>,
      %shift_left3A_478 = arith.constant 16 : i32
      %shift_left3A_479 = vector.broadcast %shift_left3A_478 : i32 to vector<16xi32>
      %shift_left3A_480 = arith.shli %get3A_477, %shift_left3A_479 : vector<16xi32>
      %bitcast3A_481 = vector.bitcast %shift_left3A_480 : vector<16xi32> to vector<16xf32>
      %and3A_482 = arith.andi %get3A_477, %broadcast_in_dim3A_202 : vector<16xi32>
      %bitcast3A_483 = vector.bitcast %and3A_482 : vector<16xi32> to vector<16xf32>
      %get3A_484 = arith.index_cast %add3A_475 : i32 to index
      %get3A_485 = tpu.vector_load %arg10[%get3A_484] {strides = array<i32>} : memref<8192xi32, #tpu.memory_space<vmem>>, vector<16xi32>,
      %shift_left3A_486 = arith.constant 16 : i32
      %shift_left3A_487 = vector.broadcast %shift_left3A_486 : i32 to vector<16xi32>
      %shift_left3A_488 = arith.shli %get3A_485, %shift_left3A_487 : vector<16xi32>
      %bitcast3A_489 = vector.bitcast %shift_left3A_488 : vector<16xi32> to vector<16xf32>
      %and3A_490 = arith.andi %get3A_485, %broadcast_in_dim3A_202 : vector<16xi32>
      %bitcast3A_491 = vector.bitcast %and3A_490 : vector<16xi32> to vector<16xf32>
      %mul3A_492 = arith.mulf %bitcast3A_481, %bitcast3A_489 : vector<16xf32>
      %add3A_493 = arith.addf %add3A_473, %mul3A_492 : vector<16xf32>
      %mul3A_494 = arith.mulf %bitcast3A_483, %bitcast3A_491 : vector<16xf32>
      %add3A_495 = arith.addf %add3A_493, %mul3A_494 : vector<16xf32>
      %add3A_496 = arith.constant 6656 : i32
      %add3A_497 = arith.addi %add3A_496, %mul3A_210 : i32
      %get3A_498 = arith.index_cast %add3A_497 : i32 to index
      %get3A_499 = tpu.vector_load %arg11[%get3A_498] {strides = array<i32>} : memref<8192xi32, #tpu.memory_space<vmem>>, vector<16xi32>,
      %shift_left3A_500 = arith.constant 16 : i32
      %shift_left3A_501 = vector.broadcast %shift_left3A_500 : i32 to vector<16xi32>
      %shift_left3A_502 = arith.shli %get3A_499, %shift_left3A_501 : vector<16xi32>
      %bitcast3A_503 = vector.bitcast %shift_left3A_502 : vector<16xi32> to vector<16xf32>
      %and3A_504 = arith.andi %get3A_499, %broadcast_in_dim3A_202 : vector<16xi32>
      %bitcast3A_505 = vector.bitcast %and3A_504 : vector<16xi32> to vector<16xf32>
      %get3A_506 = arith.index_cast %add3A_497 : i32 to index
      %get3A_507 = tpu.vector_load %arg10[%get3A_506] {strides = array<i32>} : memref<8192xi32, #tpu.memory_space<vmem>>, vector<16xi32>,
      %shift_left3A_508 = arith.constant 16 : i32
      %shift_left3A_509 = vector.broadcast %shift_left3A_508 : i32 to vector<16xi32>
      %shift_left3A_510 = arith.shli %get3A_507, %shift_left3A_509 : vector<16xi32>
      %bitcast3A_511 = vector.bitcast %shift_left3A_510 : vector<16xi32> to vector<16xf32>
      %and3A_512 = arith.andi %get3A_507, %broadcast_in_dim3A_202 : vector<16xi32>
      %bitcast3A_513 = vector.bitcast %and3A_512 : vector<16xi32> to vector<16xf32>
      %mul3A_514 = arith.mulf %bitcast3A_503, %bitcast3A_511 : vector<16xf32>
      %add3A_515 = arith.addf %add3A_495, %mul3A_514 : vector<16xf32>
      %mul3A_516 = arith.mulf %bitcast3A_505, %bitcast3A_513 : vector<16xf32>
      %add3A_517 = arith.addf %add3A_515, %mul3A_516 : vector<16xf32>
      %add3A_518 = arith.constant 7168 : i32
      %add3A_519 = arith.addi %add3A_518, %mul3A_210 : i32
      %get3A_520 = arith.index_cast %add3A_519 : i32 to index
      %get3A_521 = tpu.vector_load %arg11[%get3A_520] {strides = array<i32>} : memref<8192xi32, #tpu.memory_space<vmem>>, vector<16xi32>,
      %shift_left3A_522 = arith.constant 16 : i32
      %shift_left3A_523 = vector.broadcast %shift_left3A_522 : i32 to vector<16xi32>
      %shift_left3A_524 = arith.shli %get3A_521, %shift_left3A_523 : vector<16xi32>
      %bitcast3A_525 = vector.bitcast %shift_left3A_524 : vector<16xi32> to vector<16xf32>
      %and3A_526 = arith.andi %get3A_521, %broadcast_in_dim3A_202 : vector<16xi32>
      %bitcast3A_527 = vector.bitcast %and3A_526 : vector<16xi32> to vector<16xf32>
      %get3A_528 = arith.index_cast %add3A_519 : i32 to index
      %get3A_529 = tpu.vector_load %arg10[%get3A_528] {strides = array<i32>} : memref<8192xi32, #tpu.memory_space<vmem>>, vector<16xi32>,
      %shift_left3A_530 = arith.constant 16 : i32
      %shift_left3A_531 = vector.broadcast %shift_left3A_530 : i32 to vector<16xi32>
      %shift_left3A_532 = arith.shli %get3A_529, %shift_left3A_531 : vector<16xi32>
      %bitcast3A_533 = vector.bitcast %shift_left3A_532 : vector<16xi32> to vector<16xf32>
      %and3A_534 = arith.andi %get3A_529, %broadcast_in_dim3A_202 : vector<16xi32>
      %bitcast3A_535 = vector.bitcast %and3A_534 : vector<16xi32> to vector<16xf32>
      %mul3A_536 = arith.mulf %bitcast3A_525, %bitcast3A_533 : vector<16xf32>
      %add3A_537 = arith.addf %add3A_517, %mul3A_536 : vector<16xf32>
      %mul3A_538 = arith.mulf %bitcast3A_527, %bitcast3A_535 : vector<16xf32>
      %add3A_539 = arith.addf %add3A_537, %mul3A_538 : vector<16xf32>
      %add3A_540 = arith.constant 7680 : i32
      %add3A_541 = arith.addi %add3A_540, %mul3A_210 : i32
      %get3A_542 = arith.index_cast %add3A_541 : i32 to index
      %get3A_543 = tpu.vector_load %arg11[%get3A_542] {strides = array<i32>} : memref<8192xi32, #tpu.memory_space<vmem>>, vector<16xi32>,
      %shift_left3A_544 = arith.constant 16 : i32
      %shift_left3A_545 = vector.broadcast %shift_left3A_544 : i32 to vector<16xi32>
      %shift_left3A_546 = arith.shli %get3A_543, %shift_left3A_545 : vector<16xi32>
      %bitcast3A_547 = vector.bitcast %shift_left3A_546 : vector<16xi32> to vector<16xf32>
      %and3A_548 = arith.andi %get3A_543, %broadcast_in_dim3A_202 : vector<16xi32>
      %bitcast3A_549 = vector.bitcast %and3A_548 : vector<16xi32> to vector<16xf32>
      %get3A_550 = arith.index_cast %add3A_541 : i32 to index
      %get3A_551 = tpu.vector_load %arg10[%get3A_550] {strides = array<i32>} : memref<8192xi32, #tpu.memory_space<vmem>>, vector<16xi32>,
      %shift_left3A_552 = arith.constant 16 : i32
      %shift_left3A_553 = vector.broadcast %shift_left3A_552 : i32 to vector<16xi32>
      %shift_left3A_554 = arith.shli %get3A_551, %shift_left3A_553 : vector<16xi32>
      %bitcast3A_555 = vector.bitcast %shift_left3A_554 : vector<16xi32> to vector<16xf32>
      %and3A_556 = arith.andi %get3A_551, %broadcast_in_dim3A_202 : vector<16xi32>
      %bitcast3A_557 = vector.bitcast %and3A_556 : vector<16xi32> to vector<16xf32>
      %mul3A_558 = arith.mulf %bitcast3A_547, %bitcast3A_555 : vector<16xf32>
      %add3A_559 = arith.addf %add3A_539, %mul3A_558 : vector<16xf32>
      %mul3A_560 = arith.mulf %bitcast3A_549, %bitcast3A_557 : vector<16xf32>
      %add3A_561 = arith.addf %add3A_559, %mul3A_560 : vector<16xf32>
      %get3A_562 = arith.index_cast %mul3A_210 : i32 to index
      %get3A_563 = tpu.vector_load %arg13[%get3A_562] {strides = array<i32>} : memref<512xf32, #tpu.memory_space<vmem>>, vector<16xf32>,
      %add3A_564 = arith.addf %add3A_561, %get3A_563 : vector<16xf32>
      %get3A_565 = arith.index_cast %mul3A_210 : i32 to index
      %get3A_566 = tpu.vector_load %arg12[%get3A_565] {strides = array<i32>} : memref<512xf32, #tpu.memory_space<vmem>>, vector<16xf32>,
      %add3A_567 = arith.addf %add3A_564, %get3A_566 : vector<16xf32>
      %add3A_568 = arith.addf %add3A_567, %get3A_201 : vector<16xf32>
      %neg3A = arith.constant 0.000000e+00 : f32
      %neg3A_569 = vector.broadcast %neg3A : f32 to vector<16xf32>
      %neg3A_570 = arith.subf %neg3A_569, %add3A_568 : vector<16xf32>
      %exp3A = math.exp %neg3A_570 : vector<16xf32>
      %add3A_571 = arith.constant 1.000000e+00 : f32
      %add3A_572 = vector.broadcast %add3A_571 : f32 to vector<16xf32>
      %add3A_573 = arith.addf %add3A_572, %exp3A : vector<16xf32>
      %div3A = arith.constant 1.000000e+00 : f32
      %div3A_574 = vector.broadcast %div3A : f32 to vector<16xf32>
      %div3A_575 = arith.divf %div3A_574, %add3A_573 : vector<16xf32>
      %swap3A = arith.index_cast %mul3A_210 : i32 to index
      %swap3A_576 = tpu.vector_load %arg15[%swap3A] {strides = array<i32>} : memref<512xf32, #tpu.memory_space<vmem>>, vector<16xf32>,
      tpu.vector_store %arg15[%swap3A], %div3A_575 {strides = array<i32>} : memref<512xf32, #tpu.memory_space<vmem>>, vector<16xf32>,
    }
    %scan3A_207 = arith.constant 32 : i32
    "tpu.region"() ({
      %run_scoped3A = tpu.sem_alloc : memref<!tpu.dma_semaphore, #tpu.memory_space<semaphore_mem>>
      %dma_start3A_208 = tpu.memref_slice %arg8[%mul3A_2] : memref<16384xf32, #tpu.memory_space<hbm>> -> memref<512xf32, #tpu.memory_space<hbm>>
      %dma_start3A_209 = tpu.memref_slice %arg8[%mul3A_2] : memref<16384xf32, #tpu.memory_space<hbm>> -> memref<512xf32, #tpu.memory_space<hbm>>
      tpu.enqueue_dma source(%arg15 : memref<512xf32, #tpu.memory_space<vmem>>) target(%dma_start3A_209 : memref<512xf32, #tpu.memory_space<hbm>>) target_semaphore(%run_scoped3A : memref<!tpu.dma_semaphore, #tpu.memory_space<semaphore_mem>>)
      %dma_wait3A_210 = tpu.memref_slice %arg8[%mul3A_2] : memref<16384xf32, #tpu.memory_space<hbm>> -> memref<512xf32, #tpu.memory_space<hbm>>
      %dma_wait3A_211 = tpu.memref_slice %arg8[%mul3A_2] : memref<16384xf32, #tpu.memory_space<hbm>> -> memref<512xf32, #tpu.memory_space<hbm>>
      tpu.wait_dma2 semaphore(%run_scoped3A : memref<!tpu.dma_semaphore, #tpu.memory_space<semaphore_mem>>) src(%arg15 : memref<512xf32, #tpu.memory_space<vmem>>) dst(%dma_wait3A_211 : memref<512xf32, #tpu.memory_space<hbm>>)
      tpu.yield
    }) : () -> ()
    return
  }
}

module attributes {stable_mosaic.version = 14 : i64} {
  func.func @_detile_body(%arg0: i32, %arg1: memref<32x65536xf32, #tpu.memory_space<vmem>>, %arg2: memref<16x512x128xi32, #tpu.memory_space<vmem>>) attributes {dimension_semantics = [#tpu.dimension_semantics<arbitrary>], iteration_bounds = array<i64: 16>, scalar_prefetch = 0 : i64, scratch_operands = 0 : i64, tpu.core_type = #tpu.core_type<tc>, window_params = [{transform_indices = @transform_0, window_bounds = array<i64: 32, 65536>}, {transform_indices = @transform_1, window_bounds = array<i64: 16, 512, 128>}]} {
    %get3A = arith.constant 0 : index
    %get3A_0 = arith.constant 0 : index
    %get3A_1 = vector.load %arg1[%get3A, %get3A_0] : memref<32x65536xf32, #tpu.memory_space<vmem>>, vector<32x65536xf32>
    %bitcast_convert_type3A = tpu.bitcast %get3A_1 : vector<32x65536xf32> -> vector<32x65536xi32>
    %slice3A = vector.extract_strided_slice %bitcast_convert_type3A {offsets = [0, 0], sizes = [16, 65536], strides = [1, 1]} : vector<32x65536xi32> to vector<16x65536xi32>
    %shift_right_logical3A = arith.constant 16 : i32
    %shift_right_logical3A_2 = vector.broadcast %shift_right_logical3A : i32 to vector<16x65536xi32>
    %shift_right_logical3A_3 = arith.shrui %slice3A, %shift_right_logical3A_2 : vector<16x65536xi32>
    %slice3A_4 = vector.extract_strided_slice %bitcast_convert_type3A {offsets = [16, 0], sizes = [16, 65536], strides = [1, 1]} : vector<32x65536xi32> to vector<16x65536xi32>
    %and3A = arith.constant -65536 : i32
    %and3A_5 = vector.broadcast %and3A : i32 to vector<16x65536xi32>
    %and3A_6 = arith.andi %slice3A_4, %and3A_5 : vector<16x65536xi32>
    %or3A = arith.ori %shift_right_logical3A_3, %and3A_6 : vector<16x65536xi32>
    %reshape3A = vector.shape_cast %or3A : vector<16x65536xi32> to vector<16x512x128xi32>
    %swap3A = arith.constant 0 : index
    %swap3A_7 = arith.constant 0 : index
    %swap3A_8 = arith.constant 0 : index
    %swap3A_9 = vector.load %arg2[%swap3A, %swap3A_7, %swap3A_8] : memref<16x512x128xi32, #tpu.memory_space<vmem>>, vector<16x512x128xi32>
    tpu.vector_store %arg2[%swap3A, %swap3A_7, %swap3A_8], %reshape3A {strides = array<i32>} : memref<16x512x128xi32, #tpu.memory_space<vmem>>, vector<16x512x128xi32>,
    return
  }
  func.func @transform_0(%arg0: i32) -> (i32, i32) {
    %c0_i32 = arith.constant 0 : i32
    %c0_i32_0 = arith.constant 0 : i32
    return %c0_i32, %arg0 : i32, i32
  }
  func.func @transform_1(%arg0: i32) -> (i32, i32, i32) {
    %c0_i32 = arith.constant 0 : i32
    %c0_i32_0 = arith.constant 0 : i32
    %c0_i32_1 = arith.constant 0 : i32
    return %c0_i32, %arg0, %c0_i32_0 : i32, i32, i32
  }
}

</mosaic_0001>

<sc_bundles>
// kernel: kernel.6.cloned.1.call-start
scs
__scs_entry_jumppad:
0x0: {  	(pc) =	sbr.rel $0x88, $3  }
0x1: {  	(tag) =	ssettag $0x0;
	lr =	simm.s32 $0x1  }
0x2: {  	[smem:$0x3F9A] =	sst lr;
	_ =	strace $0xD0000000  }
0x3: {  	_ = 	snop  }
0x4: {  	_ = 	snop  }
0x5: {  	_ = 	snop  }
0x6: {  	_ = 	snop  }
0x7: {  	_ = 	snop  }
__scs_overlays_trampoline_lowered:
0x8: {  	[smem:$0x3FA9] =	sst s0  }
0x9: {  	[smem:$0x3FAA] =	sst s1  }
0xa: {  	[smem:$0x3FAB] =	sst s2  }
0xb: {  	[smem:$0x3FAC] =	sst s3  }
0xc: {  	[smem:$0x3FAD] =	sst s4  }
0xd: {  	[smem:$0x3FAE] =	sst s5  }
0xe: {  	[smem:$0x3FAF] =	sst s6  }
0xf: {  	[smem:$0x3FB0] =	sst s7  }
0x10: {  	[smem:$0x3FB1] =	sst s8  }
0x11: {  	[smem:$0x3FB2] =	sst s9;
	s0 =	simm.s32 @!p0 $0x0  }
0x12: {  	s1 =	sld [smem:$0x3F98];
	s0 =	simm.s32 @p0 $0x1  }
0x13: {  	[smem:$0x3FB3] =	sst s0;
	s0 =	simm.s32 @!p1 $0x0  }
0x14: {  	s2 =	sld [smem:$0x3F97];
	s0 =	simm.s32 @p1 $0x1  }
0x15: {  	[smem:$0x3FB4] =	sst s0;
	s0 =	simm.s32 @!p2 $0x0  }
0x16: {  	s3 =	sld [smem:$0x3FDB];
	s0 =	simm.s32 @p2 $0x1  }
0x17: {  	s4 =	simm.s32 $0x1BF5;
	[smem:$0x3FB6] =	sst s0  }
0x18: {  	s0 =	sld [smem:$0x3F99];
	_ =	swait.ge [sflag:s4], $0x0  }
0x19: {  	s7 =	sld [smem:$0x3F9A]  }
0x1a: {  	s8 =	sadd.s32 $0xFFFFE003, lr  }
0x1b: {  	s9 =	sadd.s32 $0xFFFFFEF7, lr;
	s5 =	simm.s32 $0xFFFFFFFF;
	p2 =	slt.u32 s8, $0xFFFFF086  }
0x1c: {  	p1 =	slt.u32 s9, $0xF7A;
	s5 =	simm.s32 @!p2 $0x0  }
0x1d: {  	s5 =	simm.s32 @p1 $0x1;
	p0 =	seq.s32 s7, s2  }
0x1e: {  	s7 =	smul.u32 @!p0 $0xF7A, s2;
	p2 =	seq.s32 @!p0 s5, $0x0  }
0x1f: {  	s9 =	smul.u32 $0xF7A, s1;
	s8 =	simm.s32 @!p0 $0x1BF5;
	p2 =	por !p2, p0  }
0x20: {  	[sflag:s8] =	ssyncset.s32 @!p0 $0xFFFFF086;
	s6 =	sadd.s32 @!p0 s3, s7;
	s7 =	simm.s32 @!p0 $0x108  }
0x21: {  	s3 =	sadd.s32 s3, s9;
	s6 =	sadd.s32 @!p0 $0x88, s6;
	s7 =	simm.s32 @p2 $0x1082  }
0x22: {  	[simem:s7], [sflag:s8] =	dma.local @!p0 [hbm:s6], $0xF7A  }
0x23: {  	s9 =	sor.u32 $0xD0000000, s2;
	s6 =	simm.s32 $0x108;
	_ =	swait.ge @!p0 [sflag:s8], $0x0  }
0x24: {  	s3 =	sadd.s32 $0x88, s3;
	s6 =	simm.s32 @!p1 $0x1082;
	[sflag:s4] =	ssyncset.s32 $0xFFFFF086  }
0x25: {  	[simem:s6], [sflag:s4] =	dma.local [hbm:s3], $0xF7A  }
0x26: {  	[smem:$0x3F9A] =	sst s1;
	(tag) =	ssettag s2;
	_ =	strace s9  }
0x27: {  	s1 =	sld [smem:$0x3FAA]  }
0x28: {  	s2 =	sld [smem:$0x3FAB]  }
0x29: {  	s4 =	sld [smem:$0x3FAD]  }
0x2a: {  	p0 =	seq.s32 s5, $0x0;
	s5 =	sld [smem:$0x3FAE]  }
0x2b: {  	s6 =	sld [smem:$0x3FAF]  }
0x2c: {  	s7 =	sld [smem:$0x3FB0]  }
0x2d: {  	s3 =	simm.s32 $0x108;
	s8 =	sld [smem:$0x3FB1]  }
0x2e: {  	s3 =	simm.s32 @!p0 $0x1082;
	s9 =	sld [smem:$0x3FB2]  }
0x2f: {  	lr =	sadd.s32 s0, s3;
	s0 =	sld [smem:$0x3FA9]  }
0x30: {  	s3 =	sld [smem:$0x3FAC]  }
0x31: {  	[smem:$0x3FB5] =	sst s10  }
0x32: {  	s10 =	sld [smem:$0x3FB3];
	_ =	sdelay $0x3  }
0x33: {  	p0 =	seq.s32 s10, $0x1;
	s10 =	sld [smem:$0x3FB5];
	_ =	sdelay $0x3  }
0x34: {  	[smem:$0x3FB5] =	sst s10  }
0x35: {  	s10 =	sld [smem:$0x3FB4];
	_ =	sdelay $0x3  }
0x36: {  	p1 =	seq.s32 s10, $0x1;
	s10 =	sld [smem:$0x3FB5];
	_ =	sdelay $0x3  }
0x37: {  	[smem:$0x3FB5] =	sst s10  }
0x38: {  	s10 =	sld [smem:$0x3FB6]  }
0x39: {  	_ = 	snop;
	(pc) =	sbr.ind lr, $3  }
0x3a: {  	_ = 	snop  }
0x3b: {  	_ = 	snop  }
0x3c: {  	p2 =	seq.s32 s10, $0x1;
	s10 =	sld [smem:$0x3FB5]  }
0x3d: {  	_ =	shalt  }
0x3e: {  	_ =	shalt  }
0x3f: {  	_ =	shalt  }
0x40: {  	_ =	shalt  }
0x41: {  	_ =	shalt  }
0x42: {  	_ =	shalt  }
0x43: {  	_ =	shalt  }
0x44: {  	_ =	shalt  }
0x45: {  	_ =	shalt  }
0x46: {  	_ =	shalt  }
0x47: {  	_ =	shalt  }
0x48: {  	_ =	shalt  }
0x49: {  	_ =	shalt  }
0x4a: {  	_ =	shalt  }
0x4b: {  	_ =	shalt  }
0x4c: {  	_ =	shalt  }
0x4d: {  	_ =	shalt  }
0x4e: {  	_ =	shalt  }
0x4f: {  	_ =	shalt  }
0x50: {  	_ =	shalt  }
0x51: {  	_ =	shalt  }
0x52: {  	_ =	shalt  }
0x53: {  	_ =	shalt  }
0x54: {  	_ =	shalt  }
0x55: {  	_ =	shalt  }
0x56: {  	_ =	shalt  }
0x57: {  	_ =	shalt  }
0x58: {  	_ =	shalt  }
0x59: {  	_ =	shalt  }
0x5a: {  	_ =	shalt  }
0x5b: {  	_ =	shalt  }
0x5c: {  	_ =	shalt  }
0x5d: {  	_ =	shalt  }
0x5e: {  	_ =	shalt  }
0x5f: {  	_ =	shalt  }
0x60: {  	_ =	shalt  }
0x61: {  	_ =	shalt  }
0x62: {  	_ =	shalt  }
0x63: {  	_ =	shalt  }
0x64: {  	_ =	shalt  }
0x65: {  	_ =	shalt  }
0x66: {  	_ =	shalt  }
0x67: {  	_ =	shalt  }
0x68: {  	_ =	shalt  }
0x69: {  	_ =	shalt  }
0x6a: {  	_ =	shalt  }
0x6b: {  	_ =	shalt  }
0x6c: {  	_ =	shalt  }
0x6d: {  	_ =	shalt  }
0x6e: {  	_ =	shalt  }
0x6f: {  	_ =	shalt  }
0x70: {  	_ =	shalt  }
0x71: {  	_ =	shalt  }
0x72: {  	_ =	shalt  }
0x73: {  	_ =	shalt  }
0x74: {  	_ =	shalt  }
0x75: {  	_ =	shalt  }
0x76: {  	_ =	shalt  }
0x77: {  	_ =	shalt  }
0x78: {  	_ =	shalt  }
0x79: {  	_ =	shalt  }
0x7a: {  	_ =	shalt  }
0x7b: {  	_ =	shalt  }
0x7c: {  	_ =	shalt  }
0x7d: {  	_ =	shalt  }
0x7e: {  	_ =	shalt  }
0x7f: {  	_ =	shalt  }
0x80: {  	_ =	shalt  }
0x81: {  	_ =	shalt  }
0x82: {  	_ =	shalt  }
0x83: {  	_ =	shalt  }
0x84: {  	_ =	shalt  }
0x85: {  	_ =	shalt  }
0x86: {  	_ =	shalt  }
0x87: {  	_ =	shalt  }
.Lfunc_end0:
.L_simem_size_0:
called_computation_lowered:
.L_overlay_start_0:
0x88: {  	s2 =	sld [smem:$0x3FD9]  }
0x89: {  	s3 =	sld [smem:$0x3FFE];
	_ =	sdelay $0x1  }
0x8a: {  	s1 =	srdreg.scid  }
0x8b: {  	s0 =	sand.u32 $0x1, s1  }
0x8c: {  	s17 =	sshll.u32 s0, $0xA;
	s2 =	sadd.s32 s3, s2  }
0x8d: {  	s2 =	sadd.s32 s2, s17  }
0x8e: {  	[smem:$0x3FC1] =	sst s2  }
0x8f: {  	_ = 	snop  }
0x90: {  	s2 =	sld [smem:$0x3FC9]  }
0x91: {  	s18 =	sld [smem:$0x3FC5];
	(tm) =	ssettm $0x1  }
0x92: {  	s4 =	sld [smem:$0x3FFB];
	_ =	sdelay $0x3  }
0x93: {  	_ =	strace s4  }
0x94: {  	s4 =	sld [smem:$0x3FFC];
	_ =	sdelay $0x3  }
0x95: {  	_ =	strace s4  }
0x96: {  	s4 =	sld [smem:$0x3FFD];
	_ =	sdelay $0x3  }
0x97: {  	_ =	strace s4  }
0x98: {  	_ =	strace $0x8FFFFFFF  }
0x99: {  	s19 =	sld [smem:$0x3FDB];
	_ =	sdelay $0x1  }
0x9a: {  	s5 =	simm.s32 $_scs_section_size  }
0x9b: {  	s6 =	simm.s32 $_size__tile_overlayer_lowered;
	s7 =	simm.s32 $_tile_overlayer_lowered  }
0x9c: {  	s22 =	simm.s32 $0x1BFF;
	s21 =	sshll.u32 s7, $0x1;
	s4 =	sadd.s32 s5, s19  }
0x9d: {  	s8 =	simm.s32 $0x0;
	s20 =	sshll.u32 s6, $0x1;
	s6 =	sadd.s32 s21, s4  }
0x9e: {  	[timem:s8], [sflag:s22] =	dma.local [hbm:s6], s20  }
0x9f: {  	_ =	swait.ge [sflag:s22], s20  }
0xa0: {  	s5 =	ssub.s32 $0x0, s20;
	[sflag:s22] =	ssyncset.done $0x0  }
0xa1: {  	[sflag:s22] =	ssyncadd.s32 s5;
	_ =	sdelay $0x1  }
0xa2: {  	s23 =	simm.s32 $0x1B8B  }
0xa3: {  	_ =	swait.ge [sflag:s23], $0x1  }
0xa4: {  	[sflag:s23] =	ssyncset.done $0x0  }
0xa5: {  	s25 =	simm.s32 $0x1B8E;
	s24 =	sld [smem:$0x3FFE];
	[sflag:s23] =	ssyncadd.s32 $0xFFFFFFFF  }
0xa6: {  	s26 =	simm.s32 $execute0_lowered;
	[smem:$0x3FD2] =	sst s25  }
0xa7: {  	s6 =	sshll.u32 s26, $0x1;
	_ =	strace $0x80000046;
	[dreg:$0x1] =	wrdreg $0xFFFFFFFF  }
0xa8: {  	s28 =	simm.s32 $_size_execute0_lowered;
	s4 =	sadd.s32 s4, s6;
	[dreg:$0x0] =	wrdreg $0x0  }
0xa9: {  	s6 =	sshll.u32 s28, $0x1;
	[dreg:$0x2] =	wrdreg s4  }
0xaa: {  	[dreg:$0x3] =	wrdreg s6  }
0xab: {  	[dreg:$0x4] =	wrdreg $0xC0  }
0xac: {  	_ =	task [dreg:s8], $0x5FFFF  }
0xad: {  	[dreg:$0x1] =	wrdreg $0xFFFFFFFF  }
0xae: {  	[dreg:$0x0] =	wrdreg $0x60  }
0xaf: {  	[dreg:$0x2] =	wrdreg s2  }
0xb0: {  	[dreg:$0x3] =	wrdreg s24  }
0xb1: {  	[dreg:$0x4] =	wrdreg s18  }
0xb2: {  	[dreg:$0x5] =	wrdreg $0x9  }
0xb3: {  	_ =	task.clear_ibuf [dreg:s8], $0x6FFFF;
	_ =	strace $0x90000046  }
0xb4: {  	s29 =	simm.s32 $0x9;
	_ =	strace $0x80000048  }
0xb5: {  	_ =	swait.ge [sflag:s29], $0x1  }
0xb6: {  	[sflag:s29] =	ssyncadd.s32 $0xFFFFFFFF  }
0xb7: {  	_ =	strace $0x90000048  }
0xb8: {  	_ =	sfence  }
0xb9: {  	s30 =	sld [smem:$0x0];
	_ =	sdelay $0x2  }
0xba: {  	s31 =	sshll.u32 s1, $0xD;
	s1 =	sshrl.u32 s1, $0x2  }
0xbb: {  	s3 =	sand.u32 $0x4000, s31;
	s1 =	sadd.s32 s1, s30  }
0xbc: {  	s0 =	sor.u32 s3, s0;
	s1 =	sshll.u32 s1, $0x11  }
0xbd: {  	s0 =	sor.u32 s1, s0  }
0xbe: {  	s0 =	sadd.s32 $0x8F2B, s0  }
0xbf: {  	[sflag:s0] =	ssyncadd.remote.s32 $0x1  }
0xc0: {  	_ =	sfence.sel $0xFFFF  }
0xc1: {  	[dreg:$0x0] =	wrdreg $0xFFFFFFFF;
	(pc) =	sbr.abs _section_cstart, $3  }
0xc2: {  	[dreg:$0x1] =	wrdreg $0xFFFFFFFF  }
0xc3: {  	_ =	task.clear_ibuf [dreg:s8], $0x2FFFF;
	_ =	strace $0x9FFFFFFF  }
0xc4: {  	(tm) =	ssettm $0x7FFFFFFF  }
0xc5: {  	_ =	shalt  }
tec
execute0_lowered:
.L_overlay_start_1:
0x0: {  	(tag) =	ssettag $0x1  }
0x1: {  	s0 =	rddreg [dreg:$0x0]  }
0x2: {  	s1 =	rddreg [dreg:$0x1]  }
0x3: {  	s2 =	rddreg [dreg:$0x2]  }
0x4: {  	s16 =	rddreg [dreg:$0x3]  }
0x5: {  	s3 =	srdreg.scid;
	s4 =	stileid.u32  }
0x6: {  	s17 =	simm.s32 $0x400;
	s31 =	simm.s32 $0x600;
	s30 =	simm.s32 $0x800  }
0x7: {  	p0 =	por $0x0, $0x0;
	s28 =	simm.s32 $0x1C00;
	s29 =	simm.s32 $0x1E00  }
0x8: {  	[dreg:$0x5] =	wrdreg s2;
	s2 =	simm.s32 $0x0;
	s3 =	sand.u32 $0x1, s3  }
0x9: {  	s4 =	sshll.u32 s4, $0x1;
	s5 =	sadd.s32 $0xC00, s1;
	s19 =	sadd.s32 $0x20C00, s1  }
0xa: {  	s20 =	sadd.s32 $0x40C00, s1;
	s22 =	sadd.s32 $0x60C00, s1;
	[smem:$0x7FF] =	sst s2  }
0xb: {  	s23 =	sadd.s32 $0x80C00, s1;
	_ =	strace $0x80000047;
	[dreg:$0x4] =	wrdreg s5  }
0xc: {  	s24 =	sadd.s32 $0xA0C00, s1;
	s7 =	sadd.s32 $0xC0C00, s1;
	[dreg:$0x7] =	wrdreg s19  }
0xd: {  	s8 =	sadd.s32 $0xE0C00, s1;
	s25 =	sadd.s32 $0x100C00, s1;
	[dreg:$0x8] =	wrdreg s20  }
0xe: {  	s9 =	sadd.s32 $0x120C00, s1;
	s10 =	sadd.s32 $0x140C00, s1;
	[dreg:$0x9] =	wrdreg s22  }
0xf: {  	s11 =	sadd.s32 $0x160C00, s1;
	s12 =	sadd.s32 $0x180C00, s1;
	[dreg:$0xa] =	wrdreg s23  }
0x10: {  	s13 =	sadd.s32 $0x1A0C00, s1;
	s15 =	sadd.s32 $0x1C0C00, s1;
	[dreg:$0xb] =	wrdreg s24  }
0x11: {  	s14 =	sadd.s32 $0x1E0C00, s1;
	s4 =	sor.u32 s3, s4;
	[dreg:$0xc] =	wrdreg s7  }
0x12: {  	s3 =	ssub.s32 $0x2, s3;
	s6 =	sshll.u32 s4, $0xA;
	[dreg:$0xd] =	wrdreg s8  }
0x13: {  	s4 =	sshll.u32 s4, $0x6;
	s21 =	sshrl.u32 s3, $0x1;
	[dreg:$0xe] =	wrdreg s25  }
0x14: {  	s25 =	simm.s32 $0xA00;
	s23 =	simm.s32 $0xC00;
	s3 =	ssub.s32 s3, s21  }
0x15: {  	s22 =	simm.s32 $0xE00;
	s19 =	simm.s32 $0x1400;
	s26 =	smax.u32 s3, $0x1  }
0x16: {  	s20 =	simm.s32 $0x1600;
	s24 =	simm.s32 $0x2000;
	p1 =	sne.s32 s26, $0x1  }
.Ltmp0:
0x17: {  	s7 =	simm.s32 $0x2200;
	s8 =	simm.s32 $0x1;
	(pc) =	sbr.rel @!p1 .LBB2_1-.Ltmp0, $4  }
0x18: {  	s18 =	sadd.s32 s6, s1;
	s0 =	sadd.s32 s0, s4;
	s4 =	sadd.s32 s4, s1  }
0x19: {  	s6 =	simm.s32 $0x200;
	s21 =	simm.s32 $0x1800;
	[dreg:$0x6] =	wrdreg s0  }
0x1a: {  	s5 =	sadd.s32 $0x200C00, s18;
	s4 =	sadd.s32 $0x208C00, s4;
	s3 =	simm.s32 $0x2  }
0x1b: {  	s18 =	sadd.s32 $0xFFFFFFFF, s26;
	s26 =	simm.s32 $0x1A00;
	s1 =	rddreg [dreg:$0x6]  }
0x1c: {  	[tilespmem:s2], [sflag:$0x2] =	stream.linear.gather [hbm4b:s1+s2], $0x200, $0x38;
	[tilespmem:$0x2400] =	vst v63  }
0x1d: {  	_ =	swait.ge [sflag:s3], $0x200  }
0x1e: {  	[sflag:s3] =	ssyncset.done $0x0  }
0x1f: {  	s16 =	rddreg [dreg:$0x4];
	[sflag:s3] =	ssyncadd.s32 $0xFFFFFE00  }
0x20: {  	[tilespmem:s6], [sflag:$0x1] =	stream.indirect.gather [hbm4b:s16+s6], $0x1, s2, s6, $0xb8;
	[tilespmem:$0x2400] =	vst v63  }
0x21: {  	s0 =	rddreg [dreg:$0x7]  }
0x22: {  	[tilespmem:s17], [sflag:$0x1] =	stream.indirect.gather [hbm4b:s0+s6], $0x1, s2, s6, $0xb8;
	[tilespmem:$0x2400] =	vst v63  }
0x23: {  	s16 =	rddreg [dreg:$0x8]  }
0x24: {  	[tilespmem:s31], [sflag:$0x1] =	stream.indirect.gather [hbm4b:s16+s6], $0x1, s2, s6, $0xb8;
	[tilespmem:$0x2400] =	vst v63  }
0x25: {  	s0 =	rddreg [dreg:$0x9]  }
0x26: {  	[tilespmem:s30], [sflag:$0x1] =	stream.indirect.gather [hbm4b:s0+s6], $0x1, s2, s6, $0xb8;
	[tilespmem:$0x2400] =	vst v63  }
0x27: {  	s16 =	rddreg [dreg:$0xa]  }
0x28: {  	[tilespmem:s25], [sflag:$0x1] =	stream.indirect.gather [hbm4b:s16+s6], $0x1, s2, s6, $0xb8;
	[tilespmem:$0x2400] =	vst v63  }
0x29: {  	s0 =	rddreg [dreg:$0xb]  }
0x2a: {  	[tilespmem:s23], [sflag:$0x1] =	stream.indirect.gather [hbm4b:s0+s6], $0x1, s2, s6, $0xb8;
	[tilespmem:$0x2400] =	vst v63  }
0x2b: {  	s16 =	rddreg [dreg:$0xc]  }
0x2c: {  	[tilespmem:s22], [sflag:$0x1] =	stream.indirect.gather [hbm4b:s16+s6], $0x1, s2, s6, $0xb8;
	[tilespmem:$0x2400] =	vst v63  }
0x2d: {  	s0 =	rddreg [dreg:$0xd];
	s16 =	simm.s32 $0x1000  }
0x2e: {  	[tilespmem:s16], [sflag:$0x1] =	stream.indirect.gather [hbm4b:s0+s6], $0x1, s2, s6, $0xb8;
	[tilespmem:$0x2400] =	vst v63  }
0x2f: {  	s1 =	rddreg [dreg:$0xe];
	s16 =	simm.s32 $0x1200  }
0x30: {  	[tilespmem:s16], [sflag:$0x1] =	stream.indirect.gather [hbm4b:s1+s6], $0x1, s2, s6, $0xb8;
	[tilespmem:$0x2400] =	vst v63  }
0x31: {  	_ = 	snop  }
0x32: {  	[tilespmem:s19], [sflag:$0x1] =	stream.indirect.gather [hbm4b:s9+s6], $0x1, s2, s6, $0xb8;
	[tilespmem:$0x2400] =	vst v63  }
0x33: {  	_ = 	snop  }
0x34: {  	[tilespmem:s20], [sflag:$0x1] =	stream.indirect.gather [hbm4b:s10+s6], $0x1, s2, s6, $0xb8;
	[tilespmem:$0x2400] =	vst v63  }
0x35: {  	_ = 	snop  }
0x36: {  	[tilespmem:s21], [sflag:$0x1] =	stream.indirect.gather [hbm4b:s11+s6], $0x1, s2, s6, $0xb8;
	[tilespmem:$0x2400] =	vst v63  }
0x37: {  	_ = 	snop  }
0x38: {  	[tilespmem:s26], [sflag:$0x1] =	stream.indirect.gather [hbm4b:s12+s6], $0x1, s2, s6, $0xb8;
	[tilespmem:$0x2400] =	vst v63  }
0x39: {  	_ = 	snop  }
0x3a: {  	[tilespmem:s28], [sflag:$0x1] =	stream.indirect.gather [hbm4b:s13+s6], $0x1, s2, s6, $0xb8;
	[tilespmem:$0x2400] =	vst v63  }
0x3b: {  	_ = 	snop  }
0x3c: {  	[tilespmem:s29], [sflag:$0x1] =	stream.indirect.gather [hbm4b:s15+s6], $0x1, s2, s6, $0xb8;
	[tilespmem:$0x2400] =	vst v63  }
0x3d: {  	_ = 	snop  }
0x3e: {  	[tilespmem:s24], [sflag:$0x1] =	stream.indirect.gather [hbm4b:s14+s6], $0x1, s2, s6, $0xb8;
	[tilespmem:$0x2400] =	vst v63  }
0x3f: {  	s16 =	rddreg [dreg:$0x5]  }
0x40: {  	[tilespmem:s7], [sflag:$0x1] =	stream.indirect.gather [hbm4b:s16+s6], $0x1, s2, s6, $0xb8;
	[tilespmem:$0x2400] =	vst v63  }
0x41: {  	_ =	swait.ge [sflag:s8], $0x200  }
0x42: {  	[sflag:s8] =	ssyncset.done $0x0  }
0x43: {  	[sflag:s8] =	ssyncadd.s32 $0xFFFFFE00  }
0x44: {  	_ =	swait.ge [sflag:s8], $0x200  }
0x45: {  	[sflag:s8] =	ssyncset.done $0x0  }
0x46: {  	[sflag:s8] =	ssyncadd.s32 $0xFFFFFE00  }
0x47: {  	_ =	swait.ge [sflag:s8], $0x200  }
0x48: {  	[sflag:s8] =	ssyncset.done $0x0  }
0x49: {  	[sflag:s8] =	ssyncadd.s32 $0xFFFFFE00  }
0x4a: {  	_ =	swait.ge [sflag:s8], $0x200  }
0x4b: {  	[sflag:s8] =	ssyncset.done $0x0  }
0x4c: {  	[sflag:s8] =	ssyncadd.s32 $0xFFFFFE00  }
0x4d: {  	_ =	swait.ge [sflag:s8], $0x200  }
0x4e: {  	[sflag:s8] =	ssyncset.done $0x0  }
0x4f: {  	[sflag:s8] =	ssyncadd.s32 $0xFFFFFE00  }
0x50: {  	_ =	swait.ge [sflag:s8], $0x200  }
0x51: {  	[sflag:s8] =	ssyncset.done $0x0  }
0x52: {  	[sflag:s8] =	ssyncadd.s32 $0xFFFFFE00  }
0x53: {  	_ =	swait.ge [sflag:s8], $0x200  }
0x54: {  	[sflag:s8] =	ssyncset.done $0x0  }
0x55: {  	[sflag:s8] =	ssyncadd.s32 $0xFFFFFE00  }
0x56: {  	_ =	swait.ge [sflag:s8], $0x200  }
0x57: {  	[sflag:s8] =	ssyncset.done $0x0  }
0x58: {  	[sflag:s8] =	ssyncadd.s32 $0xFFFFFE00  }
0x59: {  	_ =	swait.ge [sflag:s8], $0x200  }
0x5a: {  	[sflag:s8] =	ssyncset.done $0x0  }
0x5b: {  	[sflag:s8] =	ssyncadd.s32 $0xFFFFFE00  }
0x5c: {  	_ =	swait.ge [sflag:s8], $0x200  }
0x5d: {  	[sflag:s8] =	ssyncset.done $0x0  }
0x5e: {  	[sflag:s8] =	ssyncadd.s32 $0xFFFFFE00  }
0x5f: {  	_ =	swait.ge [sflag:s8], $0x200  }
0x60: {  	[sflag:s8] =	ssyncset.done $0x0  }
0x61: {  	[sflag:s8] =	ssyncadd.s32 $0xFFFFFE00  }
0x62: {  	_ =	swait.ge [sflag:s8], $0x200  }
0x63: {  	[sflag:s8] =	ssyncset.done $0x0  }
0x64: {  	[sflag:s8] =	ssyncadd.s32 $0xFFFFFE00  }
0x65: {  	_ =	swait.ge [sflag:s8], $0x200  }
0x66: {  	[sflag:s8] =	ssyncset.done $0x0  }
0x67: {  	[sflag:s8] =	ssyncadd.s32 $0xFFFFFE00  }
0x68: {  	_ =	swait.ge [sflag:s8], $0x200  }
0x69: {  	[sflag:s8] =	ssyncset.done $0x0  }
0x6a: {  	[sflag:s8] =	ssyncadd.s32 $0xFFFFFE00  }
0x6b: {  	_ =	swait.ge [sflag:s8], $0x200  }
0x6c: {  	[sflag:s8] =	ssyncset.done $0x0  }
0x6d: {  	[sflag:s8] =	ssyncadd.s32 $0xFFFFFE00  }
0x6e: {  	_ =	swait.ge [sflag:s8], $0x200  }
0x6f: {  	[sflag:s8] =	ssyncset.done $0x0  }
0x70: {  	[sflag:s8] =	ssyncadd.s32 $0xFFFFFE00  }
0x71: {  	_ =	swait.ge [sflag:s8], $0x200  }
0x72: {  	[sflag:s8] =	ssyncset.done $0x0  }
0x73: {  	[sflag:s8] =	ssyncadd.s32 $0xFFFFFE00  }
0x74: {  	[hbm4b:s5+s2] =	stream.linear.scatter [tilespmem:s6], [sflag:$0x2], $0x2000, $0x38;
	[tilespmem:$0x2400] =	vst v63  }
0x75: {  	p1 =	sne.s32 s18, $0x1;
	_ =	swait.ge [sflag:s3], $0x2000  }
.Ltmp1:
0x76: {  	[sflag:s3] =	ssyncset.done $0x0;
	(pc) =	sbr.rel @!p1 .LBB2_7-.Ltmp1, $4  }
0x77: {  	[sflag:s3] =	ssyncadd.s32 $0xFFFFE000  }
0x78: {  	[hbm4b:s4+s2] =	stream.linear.scatter [tilespmem:s7], [sflag:$0x2], $0x200, $0x38;
	[tilespmem:$0x2400] =	vst v63  }
0x79: {  	p0 =	por $0x1, $0x1;
	_ =	swait.ge [sflag:s3], $0x200  }
0x7a: {  	s0 =	sadd.s32 $0xFFFFFFFF, s18;
	s1 =	rddreg [dreg:$0x6];
	[sflag:s3] =	ssyncset.done $0x0  }
0x7b: {  	s18 =	simm.s32 $0x1000  }
.LBB2_4:
0x7c: {  	[sflag:s3] =	ssyncadd.s32 $0xFFFFFE00  }
0x7d: {  	[tilespmem:s2], [sflag:$0x2] =	stream.linear.gather [hbm4b:s1+s2], $0x200, $0x38;
	[tilespmem:$0x2400] =	vst v63  }
0x7e: {  	_ =	swait.ge [sflag:s3], $0x200  }
0x7f: {  	[sflag:s3] =	ssyncset.done $0x0  }
0x80: {  	s1 =	rddreg [dreg:$0x4];
	[sflag:s3] =	ssyncadd.s32 $0xFFFFFE00  }
0x81: {  	[tilespmem:s6], [sflag:$0x1] =	stream.indirect.gather [hbm4b:s1+s6], $0x1, s2, s6, $0xb8;
	[tilespmem:$0x2400] =	vst v63  }
0x82: {  	s16 =	rddreg [dreg:$0x7]  }
0x83: {  	[tilespmem:s17], [sflag:$0x1] =	stream.indirect.gather [hbm4b:s16+s6], $0x1, s2, s6, $0xb8;
	[tilespmem:$0x2400] =	vst v63  }
0x84: {  	s1 =	rddreg [dreg:$0x8]  }
0x85: {  	[tilespmem:s31], [sflag:$0x1] =	stream.indirect.gather [hbm4b:s1+s6], $0x1, s2, s6, $0xb8;
	[tilespmem:$0x2400] =	vst v63  }
0x86: {  	s16 =	rddreg [dreg:$0x9]  }
0x87: {  	[tilespmem:s30], [sflag:$0x1] =	stream.indirect.gather [hbm4b:s16+s6], $0x1, s2, s6, $0xb8;
	[tilespmem:$0x2400] =	vst v63  }
0x88: {  	s1 =	rddreg [dreg:$0xa]  }
0x89: {  	[tilespmem:s25], [sflag:$0x1] =	stream.indirect.gather [hbm4b:s1+s6], $0x1, s2, s6, $0xb8;
	[tilespmem:$0x2400] =	vst v63  }
0x8a: {  	s16 =	rddreg [dreg:$0xb]  }
0x8b: {  	[tilespmem:s23], [sflag:$0x1] =	stream.indirect.gather [hbm4b:s16+s6], $0x1, s2, s6, $0xb8;
	[tilespmem:$0x2400] =	vst v63  }
0x8c: {  	s1 =	rddreg [dreg:$0xc]  }
0x8d: {  	[tilespmem:s22], [sflag:$0x1] =	stream.indirect.gather [hbm4b:s1+s6], $0x1, s2, s6, $0xb8;
	[tilespmem:$0x2400] =	vst v63  }
0x8e: {  	s16 =	rddreg [dreg:$0xd]  }
0x8f: {  	[tilespmem:s18], [sflag:$0x1] =	stream.indirect.gather [hbm4b:s16+s6], $0x1, s2, s6, $0xb8;
	[tilespmem:$0x2400] =	vst v63  }
0x90: {  	s1 =	rddreg [dreg:$0xe];
	s16 =	simm.s32 $0x1200  }
0x91: {  	[tilespmem:s16], [sflag:$0x1] =	stream.indirect.gather [hbm4b:s1+s6], $0x1, s2, s6, $0xb8;
	[tilespmem:$0x2400] =	vst v63  }
0x92: {  	_ = 	snop  }
0x93: {  	[tilespmem:s19], [sflag:$0x1] =	stream.indirect.gather [hbm4b:s9+s6], $0x1, s2, s6, $0xb8;
	[tilespmem:$0x2400] =	vst v63  }
0x94: {  	_ = 	snop  }
0x95: {  	[tilespmem:s20], [sflag:$0x1] =	stream.indirect.gather [hbm4b:s10+s6], $0x1, s2, s6, $0xb8;
	[tilespmem:$0x2400] =	vst v63  }
0x96: {  	_ = 	snop  }
0x97: {  	[tilespmem:s21], [sflag:$0x1] =	stream.indirect.gather [hbm4b:s11+s6], $0x1, s2, s6, $0xb8;
	[tilespmem:$0x2400] =	vst v63  }
0x98: {  	_ = 	snop  }
0x99: {  	[tilespmem:s26], [sflag:$0x1] =	stream.indirect.gather [hbm4b:s12+s6], $0x1, s2, s6, $0xb8;
	[tilespmem:$0x2400] =	vst v63  }
0x9a: {  	_ = 	snop  }
0x9b: {  	[tilespmem:s28], [sflag:$0x1] =	stream.indirect.gather [hbm4b:s13+s6], $0x1, s2, s6, $0xb8;
	[tilespmem:$0x2400] =	vst v63  }
0x9c: {  	_ = 	snop  }
0x9d: {  	[tilespmem:s29], [sflag:$0x1] =	stream.indirect.gather [hbm4b:s15+s6], $0x1, s2, s6, $0xb8;
	[tilespmem:$0x2400] =	vst v63  }
0x9e: {  	_ = 	snop  }
0x9f: {  	[tilespmem:s24], [sflag:$0x1] =	stream.indirect.gather [hbm4b:s14+s6], $0x1, s2, s6, $0xb8;
	[tilespmem:$0x2400] =	vst v63  }
0xa0: {  	s16 =	rddreg [dreg:$0x5]  }
0xa1: {  	[tilespmem:s7], [sflag:$0x1] =	stream.indirect.gather [hbm4b:s16+s6], $0x1, s2, s6, $0xb8;
	[tilespmem:$0x2400] =	vst v63  }
0xa2: {  	_ =	swait.ge [sflag:s8], $0x200  }
0xa3: {  	[sflag:s8] =	ssyncset.done $0x0  }
0xa4: {  	[sflag:s8] =	ssyncadd.s32 $0xFFFFFE00  }
0xa5: {  	_ =	swait.ge [sflag:s8], $0x200  }
0xa6: {  	[sflag:s8] =	ssyncset.done $0x0  }
0xa7: {  	[sflag:s8] =	ssyncadd.s32 $0xFFFFFE00  }
0xa8: {  	_ =	swait.ge [sflag:s8], $0x200  }
0xa9: {  	[sflag:s8] =	ssyncset.done $0x0  }
0xaa: {  	[sflag:s8] =	ssyncadd.s32 $0xFFFFFE00  }
0xab: {  	_ =	swait.ge [sflag:s8], $0x200  }
0xac: {  	[sflag:s8] =	ssyncset.done $0x0  }
0xad: {  	[sflag:s8] =	ssyncadd.s32 $0xFFFFFE00  }
0xae: {  	_ =	swait.ge [sflag:s8], $0x200  }
0xaf: {  	[sflag:s8] =	ssyncset.done $0x0  }
0xb0: {  	[sflag:s8] =	ssyncadd.s32 $0xFFFFFE00  }
0xb1: {  	_ =	swait.ge [sflag:s8], $0x200  }
0xb2: {  	[sflag:s8] =	ssyncset.done $0x0  }
0xb3: {  	[sflag:s8] =	ssyncadd.s32 $0xFFFFFE00  }
0xb4: {  	_ =	swait.ge [sflag:s8], $0x200  }
0xb5: {  	[sflag:s8] =	ssyncset.done $0x0  }
0xb6: {  	[sflag:s8] =	ssyncadd.s32 $0xFFFFFE00  }
0xb7: {  	_ =	swait.ge [sflag:s8], $0x200  }
0xb8: {  	[sflag:s8] =	ssyncset.done $0x0  }
0xb9: {  	[sflag:s8] =	ssyncadd.s32 $0xFFFFFE00  }
0xba: {  	_ =	swait.ge [sflag:s8], $0x200  }
0xbb: {  	[sflag:s8] =	ssyncset.done $0x0  }
0xbc: {  	[sflag:s8] =	ssyncadd.s32 $0xFFFFFE00  }
0xbd: {  	_ =	swait.ge [sflag:s8], $0x200  }
0xbe: {  	[sflag:s8] =	ssyncset.done $0x0  }
0xbf: {  	[sflag:s8] =	ssyncadd.s32 $0xFFFFFE00  }
0xc0: {  	_ =	swait.ge [sflag:s8], $0x200  }
0xc1: {  	[sflag:s8] =	ssyncset.done $0x0  }
0xc2: {  	[sflag:s8] =	ssyncadd.s32 $0xFFFFFE00  }
0xc3: {  	_ =	swait.ge [sflag:s8], $0x200  }
0xc4: {  	[sflag:s8] =	ssyncset.done $0x0  }
0xc5: {  	[sflag:s8] =	ssyncadd.s32 $0xFFFFFE00  }
0xc6: {  	_ =	swait.ge [sflag:s8], $0x200  }
0xc7: {  	[sflag:s8] =	ssyncset.done $0x0  }
0xc8: {  	[sflag:s8] =	ssyncadd.s32 $0xFFFFFE00  }
0xc9: {  	_ =	swait.ge [sflag:s8], $0x200  }
0xca: {  	[sflag:s8] =	ssyncset.done $0x0  }
0xcb: {  	[sflag:s8] =	ssyncadd.s32 $0xFFFFFE00  }
0xcc: {  	_ =	swait.ge [sflag:s8], $0x200  }
0xcd: {  	[sflag:s8] =	ssyncset.done $0x0  }
0xce: {  	[sflag:s8] =	ssyncadd.s32 $0xFFFFFE00  }
0xcf: {  	_ =	swait.ge [sflag:s8], $0x200  }
0xd0: {  	[sflag:s8] =	ssyncset.done $0x0  }
0xd1: {  	[sflag:s8] =	ssyncadd.s32 $0xFFFFFE00  }
0xd2: {  	_ =	swait.ge [sflag:s8], $0x200  }
0xd3: {  	[sflag:s8] =	ssyncset.done $0x0  }
0xd4: {  	[sflag:s8] =	ssyncadd.s32 $0xFFFFFE00  }
0xd5: {  	[hbm4b:s5+s2] =	stream.linear.scatter [tilespmem:s6], [sflag:$0x2], $0x2000, $0x38;
	[tilespmem:$0x2400] =	vst v63  }
0xd6: {  	p1 =	sne.s32 s0, $0x1;
	_ =	swait.ge [sflag:s3], $0x2000  }
.Ltmp2:
0xd7: {  	[sflag:s3] =	ssyncset.done $0x0;
	(pc) =	sbr.rel @p1 .LBB2_4-.Ltmp2, $4  }
0xd8: {  	[sflag:s3] =	ssyncadd.s32 $0xFFFFE000  }
0xd9: {  	[hbm4b:s4+s2] =	stream.linear.scatter [tilespmem:s7], [sflag:$0x2], $0x200, $0x38;
	[tilespmem:$0x2400] =	vst v63  }
0xda: {  	_ =	swait.ge [sflag:s3], $0x200  }
0xdb: {  	s0 =	sadd.s32 $0xFFFFFFFF, s0;
	s1 =	rddreg [dreg:$0x6];
	[sflag:s3] =	ssyncset.done $0x0  }
0xdc: {  	s29 =	simm.s32 $0x400;
	s31 =	simm.s32 $0x600;
	s30 =	simm.s32 $0x800  }
0xdd: {  	s28 =	simm.s32 $0x1C00;
	s26 =	simm.s32 $0x1A00;
	s25 =	simm.s32 $0xA00  }
0xde: {  	s24 =	simm.s32 $0x2000;
	s23 =	simm.s32 $0xC00;
	s22 =	simm.s32 $0xE00  }
0xdf: {  	s21 =	simm.s32 $0x1800;
	s20 =	simm.s32 $0x1600;
	s19 =	simm.s32 $0x1400  }
0xe0: {  	s18 =	simm.s32 $0x1200;
	s17 =	simm.s32 $0x1000;
	s16 =	rddreg [dreg:$0x3]  }
.LBB2_6:
0xe1: {  	[sflag:s3] =	ssyncadd.s32 @p0 $0xFFFFFE00  }
0xe2: {  	[tilespmem:s2], [sflag:$0x2] =	stream.linear.gather [hbm4b:s1+s2], $0x200, $0x38;
	[tilespmem:$0x2400] =	vst v63  }
0xe3: {  	_ =	swait.ge [sflag:s3], $0x200  }
0xe4: {  	[sflag:s3] =	ssyncset.done $0x0  }
0xe5: {  	s0 =	rddreg [dreg:$0x4];
	[sflag:s3] =	ssyncadd.s32 $0xFFFFFE00  }
0xe6: {  	[tilespmem:s6], [sflag:$0x1] =	stream.indirect.gather [hbm4b:s0+s6], $0x1, s2, s6, $0xb8;
	[tilespmem:$0x2400] =	vst v63  }
0xe7: {  	s1 =	rddreg [dreg:$0x7]  }
0xe8: {  	[tilespmem:s29], [sflag:$0x1] =	stream.indirect.gather [hbm4b:s1+s6], $0x1, s2, s6, $0xb8;
	[tilespmem:$0x2400] =	vst v63  }
0xe9: {  	s0 =	rddreg [dreg:$0x8]  }
0xea: {  	[tilespmem:s31], [sflag:$0x1] =	stream.indirect.gather [hbm4b:s0+s6], $0x1, s2, s6, $0xb8;
	[tilespmem:$0x2400] =	vst v63  }
0xeb: {  	s1 =	rddreg [dreg:$0x9]  }
0xec: {  	[tilespmem:s30], [sflag:$0x1] =	stream.indirect.gather [hbm4b:s1+s6], $0x1, s2, s6, $0xb8;
	[tilespmem:$0x2400] =	vst v63  }
0xed: {  	s29 =	rddreg [dreg:$0xa]  }
0xee: {  	[tilespmem:s25], [sflag:$0x1] =	stream.indirect.gather [hbm4b:s29+s6], $0x1, s2, s6, $0xb8;
	[tilespmem:$0x2400] =	vst v63  }
0xef: {  	s30 =	rddreg [dreg:$0xb]  }
0xf0: {  	[tilespmem:s23], [sflag:$0x1] =	stream.indirect.gather [hbm4b:s30+s6], $0x1, s2, s6, $0xb8;
	[tilespmem:$0x2400] =	vst v63  }
0xf1: {  	s31 =	rddreg [dreg:$0xc]  }
0xf2: {  	[tilespmem:s22], [sflag:$0x1] =	stream.indirect.gather [hbm4b:s31+s6], $0x1, s2, s6, $0xb8;
	[tilespmem:$0x2400] =	vst v63  }
0xf3: {  	s23 =	rddreg [dreg:$0xd]  }
0xf4: {  	[tilespmem:s17], [sflag:$0x1] =	stream.indirect.gather [hbm4b:s23+s6], $0x1, s2, s6, $0xb8;
	[tilespmem:$0x2400] =	vst v63  }
0xf5: {  	s25 =	rddreg [dreg:$0xe]  }
0xf6: {  	[tilespmem:s18], [sflag:$0x1] =	stream.indirect.gather [hbm4b:s25+s6], $0x1, s2, s6, $0xb8;
	[tilespmem:$0x2400] =	vst v63  }
0xf7: {  	_ = 	snop  }
0xf8: {  	[tilespmem:s19], [sflag:$0x1] =	stream.indirect.gather [hbm4b:s9+s6], $0x1, s2, s6, $0xb8;
	[tilespmem:$0x2400] =	vst v63  }
0xf9: {  	_ = 	snop  }
0xfa: {  	[tilespmem:s20], [sflag:$0x1] =	stream.indirect.gather [hbm4b:s10+s6], $0x1, s2, s6, $0xb8;
	[tilespmem:$0x2400] =	vst v63  }
0xfb: {  	_ = 	snop  }
0xfc: {  	[tilespmem:s21], [sflag:$0x1] =	stream.indirect.gather [hbm4b:s11+s6], $0x1, s2, s6, $0xb8;
	[tilespmem:$0x2400] =	vst v63  }
0xfd: {  	_ = 	snop  }
0xfe: {  	[tilespmem:s26], [sflag:$0x1] =	stream.indirect.gather [hbm4b:s12+s6], $0x1, s2, s6, $0xb8;
	[tilespmem:$0x2400] =	vst v63  }
0xff: {  	_ = 	snop  }
0x100: {  	[tilespmem:s28], [sflag:$0x1] =	stream.indirect.gather [hbm4b:s13+s6], $0x1, s2, s6, $0xb8;
	[tilespmem:$0x2400] =	vst v63  }
0x101: {  	s29 =	simm.s32 $0x1E00  }
0x102: {  	[tilespmem:s29], [sflag:$0x1] =	stream.indirect.gather [hbm4b:s15+s6], $0x1, s2, s6, $0xb8;
	[tilespmem:$0x2400] =	vst v63  }
0x103: {  	_ = 	snop  }
0x104: {  	[tilespmem:s24], [sflag:$0x1] =	stream.indirect.gather [hbm4b:s14+s6], $0x1, s2, s6, $0xb8;
	[tilespmem:$0x2400] =	vst v63  }
0x105: {  	s30 =	rddreg [dreg:$0x5]  }
0x106: {  	[tilespmem:s7], [sflag:$0x1] =	stream.indirect.gather [hbm4b:s30+s6], $0x1, s2, s6, $0xb8;
	[tilespmem:$0x2400] =	vst v63  }
0x107: {  	_ =	swait.ge [sflag:s8], $0x200  }
0x108: {  	[sflag:s8] =	ssyncset.done $0x0  }
0x109: {  	[sflag:s8] =	ssyncadd.s32 $0xFFFFFE00  }
0x10a: {  	_ =	swait.ge [sflag:s8], $0x200  }
0x10b: {  	[sflag:s8] =	ssyncset.done $0x0  }
0x10c: {  	[sflag:s8] =	ssyncadd.s32 $0xFFFFFE00  }
0x10d: {  	_ =	swait.ge [sflag:s8], $0x200  }
0x10e: {  	[sflag:s8] =	ssyncset.done $0x0  }
0x10f: {  	[sflag:s8] =	ssyncadd.s32 $0xFFFFFE00  }
0x110: {  	_ =	swait.ge [sflag:s8], $0x200  }
0x111: {  	[sflag:s8] =	ssyncset.done $0x0  }
0x112: {  	[sflag:s8] =	ssyncadd.s32 $0xFFFFFE00  }
0x113: {  	_ =	swait.ge [sflag:s8], $0x200  }
0x114: {  	[sflag:s8] =	ssyncset.done $0x0  }
0x115: {  	[sflag:s8] =	ssyncadd.s32 $0xFFFFFE00  }
0x116: {  	_ =	swait.ge [sflag:s8], $0x200  }
0x117: {  	[sflag:s8] =	ssyncset.done $0x0  }
0x118: {  	[sflag:s8] =	ssyncadd.s32 $0xFFFFFE00  }
0x119: {  	_ =	swait.ge [sflag:s8], $0x200  }
0x11a: {  	[sflag:s8] =	ssyncset.done $0x0  }
0x11b: {  	[sflag:s8] =	ssyncadd.s32 $0xFFFFFE00  }
0x11c: {  	_ =	swait.ge [sflag:s8], $0x200  }
0x11d: {  	[sflag:s8] =	ssyncset.done $0x0  }
0x11e: {  	[sflag:s8] =	ssyncadd.s32 $0xFFFFFE00  }
0x11f: {  	_ =	swait.ge [sflag:s8], $0x200  }
0x120: {  	[sflag:s8] =	ssyncset.done $0x0  }
0x121: {  	[sflag:s8] =	ssyncadd.s32 $0xFFFFFE00  }
0x122: {  	_ =	swait.ge [sflag:s8], $0x200  }
0x123: {  	[sflag:s8] =	ssyncset.done $0x0  }
0x124: {  	[sflag:s8] =	ssyncadd.s32 $0xFFFFFE00  }
0x125: {  	_ =	swait.ge [sflag:s8], $0x200  }
0x126: {  	[sflag:s8] =	ssyncset.done $0x0  }
0x127: {  	[sflag:s8] =	ssyncadd.s32 $0xFFFFFE00  }
0x128: {  	_ =	swait.ge [sflag:s8], $0x200  }
0x129: {  	[sflag:s8] =	ssyncset.done $0x0  }
0x12a: {  	[sflag:s8] =	ssyncadd.s32 $0xFFFFFE00  }
0x12b: {  	_ =	swait.ge [sflag:s8], $0x200  }
0x12c: {  	[sflag:s8] =	ssyncset.done $0x0  }
0x12d: {  	[sflag:s8] =	ssyncadd.s32 $0xFFFFFE00  }
0x12e: {  	_ =	swait.ge [sflag:s8], $0x200  }
0x12f: {  	[sflag:s8] =	ssyncset.done $0x0  }
0x130: {  	[sflag:s8] =	ssyncadd.s32 $0xFFFFFE00  }
0x131: {  	_ =	swait.ge [sflag:s8], $0x200  }
0x132: {  	[sflag:s8] =	ssyncset.done $0x0  }
0x133: {  	[sflag:s8] =	ssyncadd.s32 $0xFFFFFE00  }
0x134: {  	_ =	swait.ge [sflag:s8], $0x200  }
0x135: {  	[sflag:s8] =	ssyncset.done $0x0  }
0x136: {  	[sflag:s8] =	ssyncadd.s32 $0xFFFFFE00  }
0x137: {  	_ =	swait.ge [sflag:s8], $0x200  }
0x138: {  	[sflag:s8] =	ssyncset.done $0x0  }
0x139: {  	[sflag:s8] =	ssyncadd.s32 $0xFFFFFE00  }
0x13a: {  	[hbm4b:s5+s2] =	stream.linear.scatter [tilespmem:s6], [sflag:$0x2], $0x2000, $0x38;
	[tilespmem:$0x2400] =	vst v63  }
0x13b: {  	_ =	swait.ge [sflag:s3], $0x2000  }
0x13c: {  	[sflag:s3] =	ssyncset.done $0x0  }
0x13d: {  	[sflag:s3] =	ssyncadd.s32 $0xFFFFE000  }
0x13e: {  	[hbm4b:s4+s2] =	stream.linear.scatter [tilespmem:s7], [sflag:$0x2], $0x200, $0x38;
	[tilespmem:$0x2400] =	vst v63  }
0x13f: {  	_ =	swait.ge [sflag:s3], $0x200  }
0x140: {  	[sflag:s3] =	ssyncset.done $0x0  }
0x141: {  	[sflag:s3] =	ssyncadd.s32 $0xFFFFFE00  }
0x142: {  	_ =	sfence.sel $0x180000  }
0x143: {  	s31 =	stileid.u32;
	[bflag:$0x0] =	sbarrier.arrive $0xFFFF  }
0x144: {  	p0 =	sne.s32 s31, $0x0;
	_ =	strace $0x90000047  }
0x145: {  	s0 =	sadd.s32 @!p0 $0x100000, s16;
	[bflag:$0x2] =	sbarrier.arrive $0xFFFF  }
0x146: {  	[sflag:s0] =	ssyncadd.tile.s32 @!p0 $0x1;
	_ =	shalt  }
.LBB2_1:
.Ltmp3:
0x147: {  	s29 =	simm.s32 $0x400;
	s31 =	simm.s32 $0x600;
	(pc) =	sbr.rel .LBB2_6-.Ltmp3, $4  }
0x148: {  	s30 =	simm.s32 $0x800;
	s28 =	simm.s32 $0x1C00;
	s26 =	simm.s32 $0x1A00  }
0x149: {  	s25 =	simm.s32 $0xA00;
	s24 =	simm.s32 $0x2000;
	s23 =	simm.s32 $0xC00  }
0x14a: {  	s22 =	simm.s32 $0xE00;
	s21 =	simm.s32 $0x1800;
	s20 =	simm.s32 $0x1600  }
0x14b: {  	s19 =	simm.s32 $0x1400;
	s18 =	simm.s32 $0x1200;
	s17 =	simm.s32 $0x1000  }
.LBB2_7:
0x14c: {  	s29 =	simm.s32 $0x400  }
.Ltmp4:
0x14d: {  	s31 =	simm.s32 $0x600;
	s30 =	simm.s32 $0x800;
	(pc) =	sbr.rel .LBB2_6-.Ltmp4, $4  }
0x14e: {  	s28 =	simm.s32 $0x1C00;
	s26 =	simm.s32 $0x1A00;
	s25 =	simm.s32 $0xA00  }
0x14f: {  	s24 =	simm.s32 $0x2000;
	s23 =	simm.s32 $0xC00;
	s22 =	simm.s32 $0xE00  }
0x150: {  	s21 =	simm.s32 $0x1800;
	s20 =	simm.s32 $0x1600;
	s19 =	simm.s32 $0x1400  }
0x151: {  	s18 =	simm.s32 $0x1200;
	s17 =	simm.s32 $0x1000;
	s16 =	rddreg [dreg:$0x3]  }
.Lfunc_end2:
_tile_overlayer_lowered:
.L_overlay_start_2:
0x152: {  	(tag) =	ssettag $0x2  }
0x153: {  	s0 =	rddreg [dreg:$0x0];
	s2 =	stileid.u32  }
0x154: {  	s1 =	rddreg [dreg:$0x1];
	p0 =	sne.s32 s2, $0x0  }
0x155: {  	s3 =	rddreg [dreg:$0x2];
	[bflag:$0x3] =	sbarrier.arrive $0xFFFF;
	s2 =	simm.s32 @!p0 $0x1C02  }
0x156: {  	[timem:s3], [sflag:s2] =	dma.local @!p0 [hbm:s0], s1  }
0x157: {  	s0 =	simm.s32 @!p0 $0x2  }
0x158: {  	_ =	swait.ge @!p0 [sflag:s0], s1  }
0x159: {  	s1 =	ssub.s32 @!p0 $0x0, s1;
	[sflag:s0] =	ssyncset.done @!p0 $0x0  }
0x15a: {  	[sflag:s0] =	ssyncadd.s32 @!p0 s1  }
0x15b: {  	[bflag:$0x3] =	sbarrier.arrive $0xFFFF  }
0x15c: {  	_ =	shalt  }

// kernel: kernel.9.cloned.1.call-start
scs
__scs_entry_jumppad:
0x0: {  	(pc) =	sbr.rel $0x88, $3  }
0x1: {  	(tag) =	ssettag $0x0;
	lr =	simm.s32 $0x1  }
0x2: {  	[smem:$0x3F9A] =	sst lr;
	_ =	strace $0xD0000000  }
0x3: {  	_ = 	snop  }
0x4: {  	_ = 	snop  }
0x5: {  	_ = 	snop  }
0x6: {  	_ = 	snop  }
0x7: {  	_ = 	snop  }
__scs_overlays_trampoline_lowered:
0x8: {  	[smem:$0x3FA9] =	sst s0  }
0x9: {  	[smem:$0x3FAA] =	sst s1  }
0xa: {  	[smem:$0x3FAB] =	sst s2  }
0xb: {  	[smem:$0x3FAC] =	sst s3  }
0xc: {  	[smem:$0x3FAD] =	sst s4  }
0xd: {  	[smem:$0x3FAE] =	sst s5  }
0xe: {  	[smem:$0x3FAF] =	sst s6  }
0xf: {  	[smem:$0x3FB0] =	sst s7  }
0x10: {  	[smem:$0x3FB1] =	sst s8  }
0x11: {  	[smem:$0x3FB2] =	sst s9;
	s0 =	simm.s32 @!p0 $0x0  }
0x12: {  	s1 =	sld [smem:$0x3F98];
	s0 =	simm.s32 @p0 $0x1  }
0x13: {  	[smem:$0x3FB3] =	sst s0;
	s0 =	simm.s32 @!p1 $0x0  }
0x14: {  	s2 =	sld [smem:$0x3F97];
	s0 =	simm.s32 @p1 $0x1  }
0x15: {  	[smem:$0x3FB4] =	sst s0;
	s0 =	simm.s32 @!p2 $0x0  }
0x16: {  	s3 =	sld [smem:$0x3FDB];
	s0 =	simm.s32 @p2 $0x1  }
0x17: {  	s4 =	simm.s32 $0x1BF5;
	[smem:$0x3FB6] =	sst s0  }
0x18: {  	s0 =	sld [smem:$0x3F99];
	_ =	swait.ge [sflag:s4], $0x0  }
0x19: {  	s7 =	sld [smem:$0x3F9A]  }
0x1a: {  	s8 =	sadd.s32 $0xFFFFE003, lr  }
0x1b: {  	s9 =	sadd.s32 $0xFFFFFEF7, lr;
	s5 =	simm.s32 $0xFFFFFFFF;
	p2 =	slt.u32 s8, $0xFFFFF086  }
0x1c: {  	p1 =	slt.u32 s9, $0xF7A;
	s5 =	simm.s32 @!p2 $0x0  }
0x1d: {  	s5 =	simm.s32 @p1 $0x1;
	p0 =	seq.s32 s7, s2  }
0x1e: {  	s7 =	smul.u32 @!p0 $0xF7A, s2;
	p2 =	seq.s32 @!p0 s5, $0x0  }
0x1f: {  	s9 =	smul.u32 $0xF7A, s1;
	s8 =	simm.s32 @!p0 $0x1BF5;
	p2 =	por !p2, p0  }
0x20: {  	[sflag:s8] =	ssyncset.s32 @!p0 $0xFFFFF086;
	s6 =	sadd.s32 @!p0 s3, s7;
	s7 =	simm.s32 @!p0 $0x108  }
0x21: {  	s3 =	sadd.s32 s3, s9;
	s6 =	sadd.s32 @!p0 $0x88, s6;
	s7 =	simm.s32 @p2 $0x1082  }
0x22: {  	[simem:s7], [sflag:s8] =	dma.local @!p0 [hbm:s6], $0xF7A  }
0x23: {  	s9 =	sor.u32 $0xD0000000, s2;
	s6 =	simm.s32 $0x108;
	_ =	swait.ge @!p0 [sflag:s8], $0x0  }
0x24: {  	s3 =	sadd.s32 $0x88, s3;
	s6 =	simm.s32 @!p1 $0x1082;
	[sflag:s4] =	ssyncset.s32 $0xFFFFF086  }
0x25: {  	[simem:s6], [sflag:s4] =	dma.local [hbm:s3], $0xF7A  }
0x26: {  	[smem:$0x3F9A] =	sst s1;
	(tag) =	ssettag s2;
	_ =	strace s9  }
0x27: {  	s1 =	sld [smem:$0x3FAA]  }
0x28: {  	s2 =	sld [smem:$0x3FAB]  }
0x29: {  	s4 =	sld [smem:$0x3FAD]  }
0x2a: {  	p0 =	seq.s32 s5, $0x0;
	s5 =	sld [smem:$0x3FAE]  }
0x2b: {  	s6 =	sld [smem:$0x3FAF]  }
0x2c: {  	s7 =	sld [smem:$0x3FB0]  }
0x2d: {  	s3 =	simm.s32 $0x108;
	s8 =	sld [smem:$0x3FB1]  }
0x2e: {  	s3 =	simm.s32 @!p0 $0x1082;
	s9 =	sld [smem:$0x3FB2]  }
0x2f: {  	lr =	sadd.s32 s0, s3;
	s0 =	sld [smem:$0x3FA9]  }
0x30: {  	s3 =	sld [smem:$0x3FAC]  }
0x31: {  	[smem:$0x3FB5] =	sst s10  }
0x32: {  	s10 =	sld [smem:$0x3FB3];
	_ =	sdelay $0x3  }
0x33: {  	p0 =	seq.s32 s10, $0x1;
	s10 =	sld [smem:$0x3FB5];
	_ =	sdelay $0x3  }
0x34: {  	[smem:$0x3FB5] =	sst s10  }
0x35: {  	s10 =	sld [smem:$0x3FB4];
	_ =	sdelay $0x3  }
0x36: {  	p1 =	seq.s32 s10, $0x1;
	s10 =	sld [smem:$0x3FB5];
	_ =	sdelay $0x3  }
0x37: {  	[smem:$0x3FB5] =	sst s10  }
0x38: {  	s10 =	sld [smem:$0x3FB6]  }
0x39: {  	_ = 	snop;
	(pc) =	sbr.ind lr, $3  }
0x3a: {  	_ = 	snop  }
0x3b: {  	_ = 	snop  }
0x3c: {  	p2 =	seq.s32 s10, $0x1;
	s10 =	sld [smem:$0x3FB5]  }
0x3d: {  	_ =	shalt  }
0x3e: {  	_ =	shalt  }
0x3f: {  	_ =	shalt  }
0x40: {  	_ =	shalt  }
0x41: {  	_ =	shalt  }
0x42: {  	_ =	shalt  }
0x43: {  	_ =	shalt  }
0x44: {  	_ =	shalt  }
0x45: {  	_ =	shalt  }
0x46: {  	_ =	shalt  }
0x47: {  	_ =	shalt  }
0x48: {  	_ =	shalt  }
0x49: {  	_ =	shalt  }
0x4a: {  	_ =	shalt  }
0x4b: {  	_ =	shalt  }
0x4c: {  	_ =	shalt  }
0x4d: {  	_ =	shalt  }
0x4e: {  	_ =	shalt  }
0x4f: {  	_ =	shalt  }
0x50: {  	_ =	shalt  }
0x51: {  	_ =	shalt  }
0x52: {  	_ =	shalt  }
0x53: {  	_ =	shalt  }
0x54: {  	_ =	shalt  }
0x55: {  	_ =	shalt  }
0x56: {  	_ =	shalt  }
0x57: {  	_ =	shalt  }
0x58: {  	_ =	shalt  }
0x59: {  	_ =	shalt  }
0x5a: {  	_ =	shalt  }
0x5b: {  	_ =	shalt  }
0x5c: {  	_ =	shalt  }
0x5d: {  	_ =	shalt  }
0x5e: {  	_ =	shalt  }
0x5f: {  	_ =	shalt  }
0x60: {  	_ =	shalt  }
0x61: {  	_ =	shalt  }
0x62: {  	_ =	shalt  }
0x63: {  	_ =	shalt  }
0x64: {  	_ =	shalt  }
0x65: {  	_ =	shalt  }
0x66: {  	_ =	shalt  }
0x67: {  	_ =	shalt  }
0x68: {  	_ =	shalt  }
0x69: {  	_ =	shalt  }
0x6a: {  	_ =	shalt  }
0x6b: {  	_ =	shalt  }
0x6c: {  	_ =	shalt  }
0x6d: {  	_ =	shalt  }
0x6e: {  	_ =	shalt  }
0x6f: {  	_ =	shalt  }
0x70: {  	_ =	shalt  }
0x71: {  	_ =	shalt  }
0x72: {  	_ =	shalt  }
0x73: {  	_ =	shalt  }
0x74: {  	_ =	shalt  }
0x75: {  	_ =	shalt  }
0x76: {  	_ =	shalt  }
0x77: {  	_ =	shalt  }
0x78: {  	_ =	shalt  }
0x79: {  	_ =	shalt  }
0x7a: {  	_ =	shalt  }
0x7b: {  	_ =	shalt  }
0x7c: {  	_ =	shalt  }
0x7d: {  	_ =	shalt  }
0x7e: {  	_ =	shalt  }
0x7f: {  	_ =	shalt  }
0x80: {  	_ =	shalt  }
0x81: {  	_ =	shalt  }
0x82: {  	_ =	shalt  }
0x83: {  	_ =	shalt  }
0x84: {  	_ =	shalt  }
0x85: {  	_ =	shalt  }
0x86: {  	_ =	shalt  }
0x87: {  	_ =	shalt  }
.Lfunc_end0:
.L_simem_size_0:
called_computation.1_lowered:
.L_overlay_start_0:
0x88: {  	s2 =	sld [smem:$0x3FD9]  }
0x89: {  	s3 =	sld [smem:$0x3FFE];
	_ =	sdelay $0x1  }
0x8a: {  	s1 =	srdreg.scid  }
0x8b: {  	s0 =	sand.u32 $0x1, s1  }
0x8c: {  	s17 =	sshll.u32 s0, $0xA;
	s2 =	sadd.s32 s3, s2  }
0x8d: {  	s2 =	sadd.s32 s2, s17  }
0x8e: {  	[smem:$0x3FC1] =	sst s2  }
0x8f: {  	_ = 	snop  }
0x90: {  	s2 =	sld [smem:$0x3FC8]  }
0x91: {  	s18 =	sld [smem:$0x3FC4]  }
0x92: {  	s4 =	sld [smem:$0x3FD0];
	(tm) =	ssettm $0x1  }
0x93: {  	s5 =	sld [smem:$0x3FFB];
	_ =	sdelay $0x3  }
0x94: {  	_ =	strace s5  }
0x95: {  	s5 =	sld [smem:$0x3FFC];
	_ =	sdelay $0x3  }
0x96: {  	_ =	strace s5  }
0x97: {  	s5 =	sld [smem:$0x3FFD];
	_ =	sdelay $0x3  }
0x98: {  	_ =	strace s5  }
0x99: {  	_ =	strace $0x8FFFFFFF  }
0x9a: {  	s19 =	sld [smem:$0x3FDB];
	_ =	sdelay $0x1  }
0x9b: {  	s6 =	simm.s32 $_scs_section_size  }
0x9c: {  	s7 =	simm.s32 $_size__tile_overlayer_lowered;
	s8 =	simm.s32 $_tile_overlayer_lowered  }
0x9d: {  	s22 =	simm.s32 $0x1BFF;
	s21 =	sshll.u32 s8, $0x1;
	s5 =	sadd.s32 s6, s19  }
0x9e: {  	s9 =	simm.s32 $0x0;
	s20 =	sshll.u32 s7, $0x1;
	s7 =	sadd.s32 s21, s5  }
0x9f: {  	[timem:s9], [sflag:s22] =	dma.local [hbm:s7], s20  }
0xa0: {  	_ =	swait.ge [sflag:s22], s20  }
0xa1: {  	s6 =	ssub.s32 $0x0, s20;
	[sflag:s22] =	ssyncset.done $0x0  }
0xa2: {  	[sflag:s22] =	ssyncadd.s32 s6;
	_ =	sdelay $0x1  }
0xa3: {  	s23 =	simm.s32 $0x1B8B  }
0xa4: {  	_ =	swait.ge [sflag:s23], $0x1  }
0xa5: {  	[sflag:s23] =	ssyncset.done $0x0  }
0xa6: {  	s25 =	simm.s32 $0x1B8E;
	s24 =	sld [smem:$0x3FFE];
	[sflag:s23] =	ssyncadd.s32 $0xFFFFFFFF  }
0xa7: {  	s26 =	simm.s32 $execute0_lowered;
	[smem:$0x3FD2] =	sst s25  }
0xa8: {  	s7 =	sshll.u32 s26, $0x1;
	_ =	strace $0x80000049;
	[dreg:$0x1] =	wrdreg $0xFFFFFFFF  }
0xa9: {  	s28 =	simm.s32 $_size_execute0_lowered;
	s5 =	sadd.s32 s5, s7;
	[dreg:$0x0] =	wrdreg $0x0  }
0xaa: {  	s7 =	sshll.u32 s28, $0x1;
	[dreg:$0x2] =	wrdreg s5  }
0xab: {  	[dreg:$0x3] =	wrdreg s7  }
0xac: {  	[dreg:$0x4] =	wrdreg $0xC0  }
0xad: {  	_ =	task [dreg:s9], $0x5FFFF  }
0xae: {  	[dreg:$0x1] =	wrdreg $0xFFFFFFFF  }
0xaf: {  	[dreg:$0x0] =	wrdreg $0x60  }
0xb0: {  	[dreg:$0x2] =	wrdreg s2  }
0xb1: {  	[dreg:$0x3] =	wrdreg s24  }
0xb2: {  	[dreg:$0x4] =	wrdreg s18  }
0xb3: {  	[dreg:$0x5] =	wrdreg s4  }
0xb4: {  	[dreg:$0x6] =	wrdreg $0x9  }
0xb5: {  	_ =	task.clear_ibuf [dreg:s9], $0x7FFFF;
	_ =	strace $0x90000049  }
0xb6: {  	s29 =	simm.s32 $0x9;
	_ =	strace $0x8000004B  }
0xb7: {  	_ =	swait.ge [sflag:s29], $0x1  }
0xb8: {  	[sflag:s29] =	ssyncadd.s32 $0xFFFFFFFF  }
0xb9: {  	_ =	strace $0x9000004B  }
0xba: {  	_ =	sfence  }
0xbb: {  	s30 =	sld [smem:$0x0];
	_ =	sdelay $0x2  }
0xbc: {  	s31 =	sshll.u32 s1, $0xD;
	s1 =	sshrl.u32 s1, $0x2  }
0xbd: {  	s3 =	sand.u32 $0x4000, s31;
	s1 =	sadd.s32 s1, s30  }
0xbe: {  	s0 =	sor.u32 s3, s0;
	s1 =	sshll.u32 s1, $0x11  }
0xbf: {  	s0 =	sor.u32 s1, s0  }
0xc0: {  	s0 =	sadd.s32 $0x8F2B, s0  }
0xc1: {  	[sflag:s0] =	ssyncadd.remote.s32 $0x1  }
0xc2: {  	_ =	sfence.sel $0xFFFF  }
0xc3: {  	[dreg:$0x0] =	wrdreg $0xFFFFFFFF;
	(pc) =	sbr.abs _section_cstart, $3  }
0xc4: {  	[dreg:$0x1] =	wrdreg $0xFFFFFFFF  }
0xc5: {  	_ =	task.clear_ibuf [dreg:s9], $0x2FFFF;
	_ =	strace $0x9FFFFFFF  }
0xc6: {  	(tm) =	ssettm $0x7FFFFFFF  }
0xc7: {  	_ =	shalt  }
tec
execute0_lowered:
.L_overlay_start_1:
0x0: {  	(tag) =	ssettag $0x1  }
0x1: {  	s1 =	rddreg [dreg:$0x1]  }
0x2: {  	s3 =	simm.s32 $0x0;
	s4 =	srdreg.scid;
	s5 =	stileid.u32  }
0x3: {  	s28 =	simm.s32 $0x200;
	[smem:$0x7FF] =	sst s3;
	s11 =	sand.u32 $0x1, s4  }
0x4: {  	s29 =	sshll.u32 s5, $0x1;
	s4 =	sadd.s32 $0x209400, s1;
	s5 =	sadd.s32 $0xC00, s1  }
0x5: {  	s6 =	sadd.s32 $0x229400, s1;
	s8 =	sadd.s32 $0x269400, s1  }
0x6: {  	s9 =	sadd.s32 $0x289400, s1;
	s10 =	sadd.s32 $0x2A9400, s1  }
0x7: {  	s0 =	rddreg [dreg:$0x0];
	s12 =	sadd.s32 $0x2E9400, s1;
	s13 =	sadd.s32 $0x309400, s1  }
0x8: {  	s2 =	rddreg [dreg:$0x3];
	s14 =	sadd.s32 $0x329400, s1;
	s18 =	sadd.s32 $0x389400, s1  }
0x9: {  	s26 =	simm.s32 $0x2;
	s19 =	sadd.s32 $0x3A9400, s1;
	s21 =	sadd.s32 $0x3C9400, s1  }
0xa: {  	s30 =	simm.s32 $0x1;
	s22 =	sadd.s32 $0x3E9400, s1;
	_ =	strace $0x8000004A  }
0xb: {  	s7 =	sor.u32 s11, s29;
	s15 =	ssub.s32 $0x2, s11;
	s11 =	sadd.s32 $0x2C9400, s1  }
0xc: {  	s31 =	sshll.u32 s7, $0xA;
	s20 =	sshll.u32 s7, $0x6;
	s7 =	sadd.s32 $0x249400, s1  }
0xd: {  	s16 =	sshrl.u32 s15, $0x1;
	s23 =	sadd.s32 s31, s1;
	s24 =	sadd.s32 s20, s1  }
0xe: {  	s25 =	ssub.s32 s15, s16;
	s15 =	sadd.s32 $0x349400, s1;
	s16 =	sadd.s32 $0x369400, s1  }
0xf: {  	s17 =	sadd.s32 s0, s20;
	s20 =	sadd.s32 s2, s20;
	s0 =	simm.s32 $0x0  }
0x10: {  	s23 =	sadd.s32 $0x200C00, s23;
	s24 =	sadd.s32 $0x208C00, s24;
	s25 =	smax.u32 s25, $0x1  }
.LBB2_1:
0x11: {  	[tilespmem:s3], [sflag:$0x2] =	stream.linear.gather [hbm4b:s17+s3], $0x200, $0x38;
	[tilespmem:$0x4880] =	vst v63  }
0x12: {  	_ =	swait.ge [sflag:s26], $0x200  }
0x13: {  	[sflag:s26] =	ssyncset.done $0x0  }
0x14: {  	[sflag:s26] =	ssyncadd.s32 $0xFFFFFE00  }
0x15: {  	[tilespmem:s28], [sflag:$0x1] =	stream.indirect.gather [hbm4b:s4+s28], $0x1, s3, s28, $0xb8;
	[tilespmem:$0x4880] =	vst v63  }
0x16: {  	s1 =	simm.s32 $0x400  }
0x17: {  	[tilespmem:s1], [sflag:$0x1] =	stream.indirect.gather [hbm4b:s6+s28], $0x1, s3, s28, $0xb8;
	[tilespmem:$0x4880] =	vst v63  }
0x18: {  	s2 =	simm.s32 $0x600  }
0x19: {  	[tilespmem:s2], [sflag:$0x1] =	stream.indirect.gather [hbm4b:s7+s28], $0x1, s3, s28, $0xb8;
	[tilespmem:$0x4880] =	vst v63  }
0x1a: {  	s2 =	simm.s32 $0x800  }
0x1b: {  	[tilespmem:s2], [sflag:$0x1] =	stream.indirect.gather [hbm4b:s8+s28], $0x1, s3, s28, $0xb8;
	[tilespmem:$0x4880] =	vst v63  }
0x1c: {  	s2 =	simm.s32 $0xA00  }
0x1d: {  	[tilespmem:s2], [sflag:$0x1] =	stream.indirect.gather [hbm4b:s9+s28], $0x1, s3, s28, $0xb8;
	[tilespmem:$0x4880] =	vst v63  }
0x1e: {  	s2 =	simm.s32 $0xC00  }
0x1f: {  	[tilespmem:s2], [sflag:$0x1] =	stream.indirect.gather [hbm4b:s10+s28], $0x1, s3, s28, $0xb8;
	[tilespmem:$0x4880] =	vst v63  }
0x20: {  	s2 =	simm.s32 $0xE00  }
0x21: {  	[tilespmem:s2], [sflag:$0x1] =	stream.indirect.gather [hbm4b:s11+s28], $0x1, s3, s28, $0xb8;
	[tilespmem:$0x4880] =	vst v63  }
0x22: {  	s2 =	simm.s32 $0x1000  }
0x23: {  	[tilespmem:s2], [sflag:$0x1] =	stream.indirect.gather [hbm4b:s12+s28], $0x1, s3, s28, $0xb8;
	[tilespmem:$0x4880] =	vst v63  }
0x24: {  	s2 =	simm.s32 $0x1200  }
0x25: {  	[tilespmem:s2], [sflag:$0x1] =	stream.indirect.gather [hbm4b:s13+s28], $0x1, s3, s28, $0xb8;
	[tilespmem:$0x4880] =	vst v63  }
0x26: {  	s2 =	simm.s32 $0x1400  }
0x27: {  	[tilespmem:s2], [sflag:$0x1] =	stream.indirect.gather [hbm4b:s14+s28], $0x1, s3, s28, $0xb8;
	[tilespmem:$0x4880] =	vst v63  }
0x28: {  	s2 =	simm.s32 $0x1600  }
0x29: {  	[tilespmem:s2], [sflag:$0x1] =	stream.indirect.gather [hbm4b:s15+s28], $0x1, s3, s28, $0xb8;
	[tilespmem:$0x4880] =	vst v63  }
0x2a: {  	s2 =	simm.s32 $0x1800  }
0x2b: {  	[tilespmem:s2], [sflag:$0x1] =	stream.indirect.gather [hbm4b:s16+s28], $0x1, s3, s28, $0xb8;
	[tilespmem:$0x4880] =	vst v63  }
0x2c: {  	s2 =	simm.s32 $0x1A00  }
0x2d: {  	[tilespmem:s2], [sflag:$0x1] =	stream.indirect.gather [hbm4b:s18+s28], $0x1, s3, s28, $0xb8;
	[tilespmem:$0x4880] =	vst v63  }
0x2e: {  	s2 =	simm.s32 $0x1C00  }
0x2f: {  	[tilespmem:s2], [sflag:$0x1] =	stream.indirect.gather [hbm4b:s19+s28], $0x1, s3, s28, $0xb8;
	[tilespmem:$0x4880] =	vst v63  }
0x30: {  	s2 =	simm.s32 $0x1E00  }
0x31: {  	[tilespmem:s2], [sflag:$0x1] =	stream.indirect.gather [hbm4b:s21+s28], $0x1, s3, s28, $0xb8;
	[tilespmem:$0x4880] =	vst v63  }
0x32: {  	s2 =	simm.s32 $0x2000  }
0x33: {  	[tilespmem:s2], [sflag:$0x1] =	stream.indirect.gather [hbm4b:s22+s28], $0x1, s3, s28, $0xb8;
	[tilespmem:$0x4880] =	vst v63  }
0x34: {  	s1 =	rddreg [dreg:$0x2];
	s2 =	simm.s32 $0x4200  }
0x35: {  	[tilespmem:s2], [sflag:$0x1] =	stream.indirect.gather [hbm4b:s1+s28], $0x1, s3, s28, $0xb8;
	[tilespmem:$0x4880] =	vst v63  }
0x36: {  	s2 =	simm.s32 $0x2200  }
0x37: {  	[tilespmem:s2], [sflag:$0x2] =	stream.linear.gather [hbm4b:s23+s3], $0x2000, $0x38;
	[tilespmem:$0x4880] =	vst v63  }
0x38: {  	_ =	swait.ge [sflag:s26], $0x2000  }
0x39: {  	[sflag:s26] =	ssyncset.done $0x0  }
0x3a: {  	s2 =	simm.s32 $0x4400;
	[sflag:s26] =	ssyncadd.s32 $0xFFFFE000  }
0x3b: {  	[tilespmem:s2], [sflag:$0x2] =	stream.linear.gather [hbm4b:s24+s3], $0x200, $0x38;
	[tilespmem:$0x4880] =	vst v63  }
0x3c: {  	_ =	swait.ge [sflag:s26], $0x200  }
0x3d: {  	[sflag:s26] =	ssyncset.done $0x0  }
0x3e: {  	s2 =	simm.s32 $0x4600;
	[sflag:s26] =	ssyncadd.s32 $0xFFFFFE00  }
0x3f: {  	[tilespmem:s2], [sflag:$0x2] =	stream.linear.gather [hbm4b:s5+s3], $0x80, $0x38;
	[tilespmem:$0x4880] =	vst v63  }
0x40: {  	_ =	swait.ge [sflag:s26], $0x80  }
0x41: {  	[sflag:s26] =	ssyncset.done $0x0  }
0x42: {  	[sflag:s26] =	ssyncadd.s32 $0xFFFFFF80  }
0x43: {  	_ =	swait.ge [sflag:s30], $0x200  }
0x44: {  	[sflag:s30] =	ssyncset.done $0x0  }
0x45: {  	[sflag:s30] =	ssyncadd.s32 $0xFFFFFE00  }
0x46: {  	_ =	swait.ge [sflag:s30], $0x200  }
0x47: {  	[sflag:s30] =	ssyncset.done $0x0  }
0x48: {  	[sflag:s30] =	ssyncadd.s32 $0xFFFFFE00  }
0x49: {  	_ =	swait.ge [sflag:s30], $0x200  }
0x4a: {  	[sflag:s30] =	ssyncset.done $0x0  }
0x4b: {  	[sflag:s30] =	ssyncadd.s32 $0xFFFFFE00  }
0x4c: {  	_ =	swait.ge [sflag:s30], $0x200  }
0x4d: {  	[sflag:s30] =	ssyncset.done $0x0  }
0x4e: {  	[sflag:s30] =	ssyncadd.s32 $0xFFFFFE00  }
0x4f: {  	_ =	swait.ge [sflag:s30], $0x200  }
0x50: {  	[sflag:s30] =	ssyncset.done $0x0  }
0x51: {  	[sflag:s30] =	ssyncadd.s32 $0xFFFFFE00  }
0x52: {  	_ =	swait.ge [sflag:s30], $0x200  }
0x53: {  	[sflag:s30] =	ssyncset.done $0x0  }
0x54: {  	[sflag:s30] =	ssyncadd.s32 $0xFFFFFE00  }
0x55: {  	_ =	swait.ge [sflag:s30], $0x200  }
0x56: {  	[sflag:s30] =	ssyncset.done $0x0  }
0x57: {  	[sflag:s30] =	ssyncadd.s32 $0xFFFFFE00  }
0x58: {  	_ =	swait.ge [sflag:s30], $0x200  }
0x59: {  	[sflag:s30] =	ssyncset.done $0x0  }
0x5a: {  	[sflag:s30] =	ssyncadd.s32 $0xFFFFFE00  }
0x5b: {  	_ =	swait.ge [sflag:s30], $0x200  }
0x5c: {  	[sflag:s30] =	ssyncset.done $0x0  }
0x5d: {  	[sflag:s30] =	ssyncadd.s32 $0xFFFFFE00  }
0x5e: {  	_ =	swait.ge [sflag:s30], $0x200  }
0x5f: {  	[sflag:s30] =	ssyncset.done $0x0  }
0x60: {  	[sflag:s30] =	ssyncadd.s32 $0xFFFFFE00  }
0x61: {  	_ =	swait.ge [sflag:s30], $0x200  }
0x62: {  	[sflag:s30] =	ssyncset.done $0x0  }
0x63: {  	[sflag:s30] =	ssyncadd.s32 $0xFFFFFE00  }
0x64: {  	_ =	swait.ge [sflag:s30], $0x200  }
0x65: {  	[sflag:s30] =	ssyncset.done $0x0  }
0x66: {  	[sflag:s30] =	ssyncadd.s32 $0xFFFFFE00  }
0x67: {  	_ =	swait.ge [sflag:s30], $0x200  }
0x68: {  	[sflag:s30] =	ssyncset.done $0x0  }
0x69: {  	[sflag:s30] =	ssyncadd.s32 $0xFFFFFE00  }
0x6a: {  	_ =	swait.ge [sflag:s30], $0x200  }
0x6b: {  	[sflag:s30] =	ssyncset.done $0x0  }
0x6c: {  	[sflag:s30] =	ssyncadd.s32 $0xFFFFFE00  }
0x6d: {  	_ =	swait.ge [sflag:s30], $0x200  }
0x6e: {  	[sflag:s30] =	ssyncset.done $0x0  }
0x6f: {  	[sflag:s30] =	ssyncadd.s32 $0xFFFFFE00  }
0x70: {  	_ =	swait.ge [sflag:s30], $0x200  }
0x71: {  	[sflag:s30] =	ssyncset.done $0x0  }
0x72: {  	[sflag:s30] =	ssyncadd.s32 $0xFFFFFE00  }
0x73: {  	_ =	swait.ge [sflag:s30], $0x200  }
0x74: {  	[sflag:s30] =	ssyncset.done $0x0  }
0x75: {  	s1 =	simm.s32 $0x0;
	[sflag:s30] =	ssyncadd.s32 $0xFFFFFE00  }
0x76: {  	v0 =	vld [tilespmem:s1+$0x2200]  }
0x77: {  	v1 =	vld [tilespmem:s1+$0x200];
	_ =	sdelay $0x2  }
0x78: {  	v2 =	vld [tilespmem:s1+$0x2400]  }
0x79: {  	v3 =	vld [tilespmem:s1+$0x400]  }
0x7a: {  	v4 =	vshll.u32 v0, $0x10;
	v5 =	vshll.u32 v1, $0x10  }
0x7b: {  	v4 =	vmul.f32 v5, v4  }
0x7c: {  	v0 =	vand.u32 $0xFFFF0000, v0;
	v1 =	vand.u32 $0xFFFF0000, v1;
	v5 =	vld [tilespmem:s1+$0x2600]  }
0x7d: {  	v0 =	vmul.f32 v1, v0;
	v1 =	vld [tilespmem:s1+$0x600];
	v4 =	vadd.f32 $0.0e+00, v4  }
0x7e: {  	v6 =	vshll.u32 v2, $0x10;
	v7 =	vshll.u32 v3, $0x10;
	v2 =	vand.u32 $0xFFFF0000, v2  }
0x7f: {  	v3 =	vand.u32 $0xFFFF0000, v3;
	v0 =	vadd.f32 v4, v0;
	v4 =	vmul.f32 v7, v6  }
0x80: {  	v2 =	vmul.f32 v3, v2;
	v3 =	vld [tilespmem:s1+$0x800]  }
0x81: {  	v6 =	vld [tilespmem:s1+$0x2800];
	v0 =	vadd.f32 v4, v0  }
0x82: {  	v7 =	vshll.u32 v1, $0x10;
	v4 =	vshll.u32 v5, $0x10  }
0x83: {  	v0 =	vadd.f32 v0, v2;
	v2 =	vmul.f32 v7, v4  }
0x84: {  	v1 =	vand.u32 $0xFFFF0000, v1;
	v4 =	vand.u32 $0xFFFF0000, v5;
	v5 =	vld [tilespmem:s1+$0x2A00]  }
0x85: {  	v1 =	vmul.f32 v1, v4;
	v0 =	vadd.f32 v2, v0;
	v2 =	vld [tilespmem:s1+$0xA00]  }
0x86: {  	v7 =	vshll.u32 v3, $0x10;
	v4 =	vshll.u32 v6, $0x10  }
0x87: {  	v0 =	vadd.f32 v0, v1;
	v1 =	vmul.f32 v7, v4  }
0x88: {  	v3 =	vand.u32 $0xFFFF0000, v3;
	v4 =	vand.u32 $0xFFFF0000, v6;
	v6 =	vld [tilespmem:s1+$0x2C00]  }
0x89: {  	v0 =	vadd.f32 v1, v0;
	v1 =	vmul.f32 v3, v4;
	v3 =	vld [tilespmem:s1+$0xC00]  }
0x8a: {  	v4 =	vshll.u32 v5, $0x10;
	v7 =	vshll.u32 v2, $0x10  }
0x8b: {  	v0 =	vadd.f32 v0, v1;
	v1 =	vmul.f32 v7, v4  }
0x8c: {  	v2 =	vand.u32 $0xFFFF0000, v2;
	v4 =	vand.u32 $0xFFFF0000, v5;
	v5 =	vld [tilespmem:s1+$0x2E00]  }
0x8d: {  	v0 =	vadd.f32 v1, v0;
	v1 =	vmul.f32 v2, v4;
	v2 =	vld [tilespmem:s1+$0xE00]  }
0x8e: {  	v4 =	vshll.u32 v6, $0x10;
	v7 =	vshll.u32 v3, $0x10  }
0x8f: {  	v0 =	vadd.f32 v0, v1;
	v1 =	vmul.f32 v7, v4  }
0x90: {  	v3 =	vand.u32 $0xFFFF0000, v3;
	v4 =	vand.u32 $0xFFFF0000, v6;
	v6 =	vld [tilespmem:s1+$0x3000]  }
0x91: {  	v0 =	vadd.f32 v1, v0;
	v1 =	vmul.f32 v3, v4;
	v3 =	vld [tilespmem:s1+$0x1000]  }
0x92: {  	v9 =	vld [tilespmem:s1+$0x2000];
	v7 =	vshll.u32 v5, $0x10;
	v8 =	vshll.u32 v2, $0x10  }
0x93: {  	v4 =	vld [tilespmem:s1+$0x4000];
	v0 =	vadd.f32 v0, v1;
	v1 =	vmul.f32 v8, v7  }
0x94: {  	v5 =	vand.u32 $0xFFFF0000, v5;
	v2 =	vand.u32 $0xFFFF0000, v2;
	v7 =	vld [tilespmem:s1+$0x3200]  }
0x95: {  	v0 =	vadd.f32 v1, v0;
	v1 =	vmul.f32 v2, v5;
	v2 =	vld [tilespmem:s1+$0x1200]  }
0x96: {  	v12 =	vld [tilespmem:s1+$0x1E00];
	v8 =	vshll.u32 v6, $0x10;
	v10 =	vshll.u32 v3, $0x10  }
0x97: {  	v6 =	vand.u32 $0xFFFF0000, v6;
	v5 =	vld [tilespmem:s1+$0x3E00];
	v0 =	vadd.f32 v0, v1;
	v1 =	vmul.f32 v10, v8  }
0x98: {  	v11 =	vand.u32 $0xFFFF0000, v4;
	v3 =	vand.u32 $0xFFFF0000, v3;
	v4 =	vshll.u32 v4, $0x10;
	v10 =	vld [tilespmem:s1+$0x3400]  }
0x99: {  	v8 =	vand.u32 $0xFFFF0000, v9;
	v0 =	vadd.f32 v1, v0;
	v1 =	vmul.f32 v3, v6;
	v3 =	vld [tilespmem:s1+$0x1400]  }
0x9a: {  	v15 =	vld [tilespmem:s1+$0x1C00];
	v9 =	vshll.u32 v9, $0x10;
	v13 =	vshll.u32 v7, $0x10;
	v14 =	vshll.u32 v2, $0x10  }
0x9b: {  	v7 =	vand.u32 $0xFFFF0000, v7;
	v6 =	vld [tilespmem:s1+$0x3C00];
	v0 =	vadd.f32 v0, v1;
	v1 =	vmul.f32 v14, v13  }
0x9c: {  	v16 =	vand.u32 $0xFFFF0000, v5;
	v2 =	vand.u32 $0xFFFF0000, v2;
	v5 =	vshll.u32 v5, $0x10;
	v14 =	vld [tilespmem:s1+$0x3600]  }
0x9d: {  	v13 =	vand.u32 $0xFFFF0000, v12;
	v0 =	vadd.f32 v1, v0;
	v1 =	vmul.f32 v2, v7;
	v2 =	vld [tilespmem:s1+$0x1600]  }
0x9e: {  	v19 =	vld [tilespmem:s1+$0x1A00];
	v12 =	vshll.u32 v12, $0x10;
	v17 =	vshll.u32 v10, $0x10;
	v18 =	vshll.u32 v3, $0x10  }
0x9f: {  	v10 =	vand.u32 $0xFFFF0000, v10;
	v7 =	vld [tilespmem:s1+$0x3A00];
	v0 =	vadd.f32 v0, v1;
	v1 =	vmul.f32 v18, v17  }
0xa0: {  	v20 =	vand.u32 $0xFFFF0000, v6;
	v3 =	vand.u32 $0xFFFF0000, v3;
	v6 =	vshll.u32 v6, $0x10;
	v18 =	vld [tilespmem:s1+$0x3800]  }
0xa1: {  	s2 =	simm.s32 $0x10;
	v17 =	vand.u32 $0xFFFF0000, v15;
	v0 =	vadd.f32 v1, v0;
	v1 =	vmul.f32 v3, v10;
	v3 =	vld [tilespmem:s1+$0x1800]  }
0xa2: {  	v24 =	vld [tilespmem:s2+$0x200];
	v21 =	vshll.u32 v14, $0x10;
	v14 =	vand.u32 $0xFFFF0000, v14;
	v22 =	vshll.u32 v2, $0x10  }
0xa3: {  	v10 =	vshll.u32 v15, $0x10;
	v15 =	vld [tilespmem:s2+$0x2200];
	v0 =	vadd.f32 v0, v1;
	v1 =	vmul.f32 v22, v21  }
0xa4: {  	v23 =	vand.u32 $0xFFFF0000, v7;
	v2 =	vand.u32 $0xFFFF0000, v2;
	v7 =	vshll.u32 v7, $0x10  }
0xa5: {  	v21 =	vand.u32 $0xFFFF0000, v19;
	v0 =	vadd.f32 v1, v0;
	v1 =	vmul.f32 v2, v14  }
0xa6: {  	v25 =	vld [tilespmem:s2+$0x400];
	v19 =	vshll.u32 v19, $0x10;
	v14 =	vshll.u32 v18, $0x10;
	v22 =	vshll.u32 v3, $0x10  }
0xa7: {  	v2 =	vld [tilespmem:s2+$0x2400];
	v3 =	vand.u32 $0xFFFF0000, v3;
	v0 =	vadd.f32 v0, v1;
	v14 =	vmul.f32 v22, v14  }
0xa8: {  	v1 =	vand.u32 $0xFFFF0000, v18;
	v18 =	vshll.u32 v15, $0x10;
	v22 =	vshll.u32 v24, $0x10  }
0xa9: {  	v18 =	vmul.f32 v22, v18;
	v1 =	vmul.f32 v3, v1;
	v0 =	vadd.f32 v14, v0  }
0xaa: {  	v7 =	vmul.f32 v19, v7;
	v3 =	vand.u32 $0xFFFF0000, v15;
	v15 =	vld [tilespmem:s2+$0x2600];
	v14 =	vand.u32 $0xFFFF0000, v24  }
0xab: {  	v18 =	vadd.f32 $0.0e+00, v18;
	v3 =	vmul.f32 v14, v3;
	v14 =	vld [tilespmem:s2+$0x600];
	v0 =	vadd.f32 v0, v1  }
0xac: {  	v19 =	vshll.u32 v25, $0x10;
	v21 =	vmul.f32 v21, v23;
	v1 =	vshll.u32 v2, $0x10  }
0xad: {  	v3 =	vadd.f32 v18, v3;
	v1 =	vmul.f32 v19, v1;
	v0 =	vadd.f32 v7, v0  }
0xae: {  	v6 =	vmul.f32 v10, v6;
	v2 =	vand.u32 $0xFFFF0000, v2;
	v18 =	vld [tilespmem:s2+$0x2800];
	v7 =	vand.u32 $0xFFFF0000, v25  }
0xaf: {  	v1 =	vadd.f32 v1, v3;
	v2 =	vmul.f32 v7, v2;
	v3 =	vld [tilespmem:s2+$0x800];
	v0 =	vadd.f32 v0, v21  }
0xb0: {  	v17 =	vmul.f32 v17, v20;
	v7 =	vshll.u32 v15, $0x10;
	v10 =	vshll.u32 v14, $0x10  }
0xb1: {  	v1 =	vadd.f32 v1, v2;
	v2 =	vmul.f32 v10, v7;
	v0 =	vadd.f32 v6, v0  }
0xb2: {  	v5 =	vmul.f32 v12, v5;
	v7 =	vand.u32 $0xFFFF0000, v14;
	v10 =	vld [tilespmem:s2+$0x2A00];
	v6 =	vand.u32 $0xFFFF0000, v15  }
0xb3: {  	v1 =	vadd.f32 v2, v1;
	v2 =	vmul.f32 v7, v6;
	v6 =	vld [tilespmem:s2+$0xA00];
	v0 =	vadd.f32 v0, v17  }
0xb4: {  	v13 =	vmul.f32 v13, v16;
	v7 =	vshll.u32 v18, $0x10;
	v12 =	vshll.u32 v3, $0x10  }
0xb5: {  	v14 =	vld [tilespmem:s1+$0x4200];
	v1 =	vadd.f32 v1, v2;
	v2 =	vmul.f32 v12, v7;
	v0 =	vadd.f32 v5, v0  }
0xb6: {  	v4 =	vmul.f32 v9, v4;
	v3 =	vand.u32 $0xFFFF0000, v3;
	v7 =	vand.u32 $0xFFFF0000, v18;
	v12 =	vld [tilespmem:s2+$0x2C00]  }
0xb7: {  	v1 =	vadd.f32 v2, v1;
	v2 =	vmul.f32 v3, v7;
	v3 =	vld [tilespmem:s2+$0xC00];
	v0 =	vadd.f32 v0, v13  }
0xb8: {  	v8 =	vmul.f32 v8, v11;
	v5 =	vld [tilespmem:s1+$0x4400];
	v7 =	vshll.u32 v10, $0x10;
	v9 =	vshll.u32 v6, $0x10  }
0xb9: {  	v13 =	vld [tilespmem:s2+$0x4000];
	v1 =	vadd.f32 v1, v2;
	v2 =	vmul.f32 v9, v7;
	v0 =	vadd.f32 v4, v0  }
0xba: {  	v6 =	vand.u32 $0xFFFF0000, v6;
	v9 =	vld [tilespmem:s2+$0x2E00];
	v4 =	vand.u32 $0xFFFF0000, v10  }
0xbb: {  	v1 =	vadd.f32 v2, v1;
	v2 =	vmul.f32 v6, v4;
	v4 =	vld [tilespmem:s2+$0xE00];
	v6 =	vadd.f32 v0, v8  }
0xbc: {  	v0 =	vld [tilespmem:$0x4600];
	v8 =	vshll.u32 v12, $0x10;
	v10 =	vshll.u32 v3, $0x10  }
0xbd: {  	v7 =	vld [tilespmem:s2+$0x2000];
	v2 =	vadd.f32 v1, v2;
	v8 =	vmul.f32 v10, v8;
	v5 =	vadd.f32 v6, v5  }
0xbe: {  	v3 =	vand.u32 $0xFFFF0000, v3;
	v10 =	vld [tilespmem:s2+$0x3000];
	v1 =	vand.u32 $0xFFFF0000, v13;
	v6 =	vand.u32 $0xFFFF0000, v12  }
0xbf: {  	v8 =	vadd.f32 v8, v2;
	v3 =	vmul.f32 v3, v6;
	v6 =	vld [tilespmem:s2+$0x1000];
	v5 =	vadd.f32 v5, v14  }
0xc0: {  	v16 =	vld [tilespmem:s2+$0x3200];
	v11 =	vshll.u32 v9, $0x10;
	v9 =	vand.u32 $0xFFFF0000, v9;
	v12 =	vshll.u32 v4, $0x10  }
0xc1: {  	v19 =	vld [tilespmem:s2+$0x3600];
	v8 =	vadd.f32 v8, v3;
	v11 =	vmul.f32 v12, v11;
	v5 =	vadd.f32 v5, v0  }
0xc2: {  	v15 =	vld [tilespmem:s2+$0x3E00];
	v2 =	vand.u32 $0xFFFF0000, v7;
	v4 =	vand.u32 $0xFFFF0000, v4;
	v3 =	vshll.u32 v13, $0x10  }
0xc3: {  	v9 =	vmul.f32 v4, v9;
	v8 =	vadd.f32 v11, v8;
	v11 =	vld [tilespmem:s2+$0x1200];
	v5 =	vsub.f32 $0.0e+00, v5  }
0xc4: {  	v12 =	vld [tilespmem:s2+$0x1E00];
	v4 =	vshll.u32 v7, $0x10;
	v13 =	vshll.u32 v10, $0x10;
	v14 =	vshll.u32 v6, $0x10  }
0xc5: {  	v22 =	vld [tilespmem:s2+$0x1400];
	v7 =	vadd.f32 v8, v9;
	v8 =	vmul.f32 v14, v13;
	v9 =	vmul.f32 $1.442695020e+00, v5  }
0xc6: {  	v21 =	vld [tilespmem:s2+$0x3400];
	v24 =	vshll.u32 v19, $0x10;
	v10 =	vand.u32 $0xFFFF0000, v10;
	v6 =	vand.u32 $0xFFFF0000, v6  }
0xc7: {  	v18 =	vld [tilespmem:s2+$0x1C00];
	v7 =	vadd.f32 v8, v7;
	v8 =	vmul.f32 v6, v10;
	(erf) = vpow2.f32 v9  }
0xc8: {  	v17 =	vld [tilespmem:s2+$0x3C00];
	v5 =	vand.u32 $0xFFFF0000, v15;
	v9 =	vshll.u32 v16, $0x10;
	v10 =	vshll.u32 v11, $0x10  }
0xc9: {  	v14 =	vld [tilespmem:s2+$0x3A00];
	v6 =	vand.u32 $0xFFFF0000, v12;
	v20 =	vadd.f32 v7, v8;
	v9 =	vmul.f32 v10, v9  }
0xca: {  	v13 =	vld [tilespmem:s2+$0x1A00];
	v11 =	vand.u32 $0xFFFF0000, v11;
	v7 =	vshll.u32 v15, $0x10;
	v10 =	vand.u32 $0xFFFF0000, v16  }
0xcb: {  	v8 =	vshll.u32 v12, $0x10;
	v11 =	vmul.f32 v11, v10;
	v12 =	vadd.f32 v9, v20;
	v20 =	vld [tilespmem:s2+$0x1600]  }
0xcc: {  	v15 =	vshll.u32 v21, $0x10;
	v16 =	vshll.u32 v22, $0x10;
	v10 =	vand.u32 $0xFFFF0000, v18  }
0xcd: {  	v15 =	vmul.f32 v16, v15;
	v16 =	vand.u32 $0xFFFF0000, v21;
	v23 =	vadd.f32 v12, v11  }
0xce: {  	v21 =	vand.u32 $0xFFFF0000, v22;
	v9 =	vand.u32 $0xFFFF0000, v17;
	v11 =	vshll.u32 v17, $0x10;
	v17 =	vld [tilespmem:s2+$0x3800]  }
0xcf: {  	s29 =	simm.s32 $0x20;
	v12 =	vshll.u32 v18, $0x10;
	v18 =	vld [tilespmem:s2+$0x1800];
	v22 =	vadd.f32 v15, v23;
	v23 =	vmul.f32 v21, v16  }
0xd0: {  	s31 =	simm.s32 $0xC0;
	v15 =	vand.u32 $0xFFFF0000, v14;
	v21 =	vld [tilespmem:s29+$0x2200];
	v16 =	vand.u32 $0xFFFF0000, v13;
	v25 =	vshll.u32 v20, $0x10;
	v26 =	vpop (erf)  }
.LBB2_2:
0xd1: {  	p0 =	sne.s32 s31, $0x7C0;
	v27 =	vld [tilespmem:s29+$0x200];
	v22 =	vadd.f32 v22, v23;
	v23 =	vmul.f32 v25, v24;
	v24 =	vadd.f32 $1.000000000e+00, v26  }
0xd2: {  	v19 =	vand.u32 $0xFFFF0000, v19;
	v20 =	vand.u32 $0xFFFF0000, v20;
	v14 =	vshll.u32 v14, $0x10  }
0xd3: {  	v19 =	vmul.f32 v20, v19;
	v22 =	vadd.f32 v23, v22;
	(erf) = vrcp.f32 v24  }
0xd4: {  	v13 =	vshll.u32 v13, $0x10;
	v23 =	vshll.u32 v17, $0x10;
	v20 =	vld [tilespmem:s29+$0x2400];
	v24 =	vshll.u32 v18, $0x10  }
0xd5: {  	v17 =	vand.u32 $0xFFFF0000, v17;
	v25 =	vld [tilespmem:s29+$0x400];
	v19 =	vadd.f32 v22, v19;
	v22 =	vmul.f32 v24, v23  }
0xd6: {  	v18 =	vand.u32 $0xFFFF0000, v18;
	v23 =	vshll.u32 v21, $0x10;
	v24 =	vshll.u32 v27, $0x10  }
0xd7: {  	v17 =	vmul.f32 v18, v17;
	v23 =	vmul.f32 v24, v23;
	v19 =	vadd.f32 v22, v19  }
0xd8: {  	v13 =	vmul.f32 v13, v14;
	v18 =	vand.u32 $0xFFFF0000, v21;
	v21 =	vand.u32 $0xFFFF0000, v27;
	v22 =	vld [tilespmem:s29+$0x2600]  }
0xd9: {  	v18 =	vmul.f32 v21, v18;
	v14 =	vadd.f32 $0.0e+00, v23;
	v21 =	vld [tilespmem:s29+$0x600];
	v17 =	vadd.f32 v19, v17  }
0xda: {  	v15 =	vmul.f32 v16, v15;
	v19 =	vshll.u32 v20, $0x10;
	v23 =	vshll.u32 v25, $0x10  }
0xdb: {  	v14 =	vadd.f32 v14, v18;
	v16 =	vmul.f32 v23, v19;
	v13 =	vadd.f32 v13, v17  }
0xdc: {  	v11 =	vmul.f32 v12, v11;
	v17 =	vand.u32 $0xFFFF0000, v20;
	v18 =	vand.u32 $0xFFFF0000, v25;
	v19 =	vld [tilespmem:s29+$0x2800];
	v12 =	vpop (erf)  }
0xdd: {  	v14 =	vadd.f32 v16, v14;
	v16 =	vmul.f32 v18, v17;
	v17 =	vld [tilespmem:s29+$0x800];
	v13 =	vadd.f32 v13, v15;
	[tilespmem:s1+$0x4680] =	vst v12;
	s1 =	smov.u32 s2;
	s2 =	smov.u32 s29  }
0xde: {  	v9 =	vmul.f32 v10, v9;
	v12 =	vshll.u32 v22, $0x10;
	v15 =	vshll.u32 v21, $0x10  }
0xdf: {  	v10 =	vadd.f32 v14, v16;
	v12 =	vmul.f32 v15, v12;
	v11 =	vadd.f32 v11, v13  }
0xe0: {  	v7 =	vmul.f32 v8, v7;
	v13 =	vand.u32 $0xFFFF0000, v22;
	v14 =	vand.u32 $0xFFFF0000, v21;
	v15 =	vld [tilespmem:s2+$0x2A00]  }
0xe1: {  	v8 =	vadd.f32 v12, v10;
	v10 =	vmul.f32 v14, v13;
	v12 =	vld [tilespmem:s2+$0xA00];
	v9 =	vadd.f32 v11, v9  }
0xe2: {  	v5 =	vmul.f32 v6, v5;
	v11 =	vshll.u32 v19, $0x10;
	v13 =	vshll.u32 v17, $0x10;
	v6 =	vld [tilespmem:s1+$0x4200]  }
0xe3: {  	v8 =	vadd.f32 v8, v10;
	v10 =	vmul.f32 v13, v11;
	v7 =	vadd.f32 v7, v9;
	v9 =	vld [tilespmem:s1+$0x4400]  }
0xe4: {  	v3 =	vmul.f32 v4, v3;
	v11 =	vand.u32 $0xFFFF0000, v19;
	v13 =	vand.u32 $0xFFFF0000, v17;
	v14 =	vld [tilespmem:s2+$0x2C00]  }
0xe5: {  	v4 =	vadd.f32 v10, v8;
	v8 =	vmul.f32 v13, v11;
	v10 =	vld [tilespmem:s2+$0xC00];
	v5 =	vadd.f32 v7, v5  }
0xe6: {  	v1 =	vmul.f32 v2, v1;
	v7 =	vshll.u32 v15, $0x10;
	v11 =	vshll.u32 v12, $0x10;
	v13 =	vld [tilespmem:s2+$0x4000]  }
0xe7: {  	v2 =	vadd.f32 v4, v8;
	v4 =	vmul.f32 v11, v7;
	v7 =	vld [tilespmem:s2+$0x2000];
	v3 =	vadd.f32 v3, v5  }
0xe8: {  	v5 =	vand.u32 $0xFFFF0000, v15;
	v8 =	vand.u32 $0xFFFF0000, v12;
	v11 =	vld [tilespmem:s2+$0x2E00]  }
0xe9: {  	v2 =	vadd.f32 v4, v2;
	v4 =	vmul.f32 v8, v5;
	v5 =	vld [tilespmem:s2+$0xE00];
	v1 =	vadd.f32 v3, v1  }
0xea: {  	v3 =	vshll.u32 v14, $0x10;
	v8 =	vshll.u32 v10, $0x10  }
0xeb: {  	v2 =	vadd.f32 v2, v4;
	v3 =	vmul.f32 v8, v3;
	v4 =	vadd.f32 v1, v9  }
0xec: {  	v8 =	vand.u32 $0xFFFF0000, v14;
	v9 =	vand.u32 $0xFFFF0000, v10;
	v1 =	vand.u32 $0xFFFF0000, v13;
	v10 =	vld [tilespmem:s2+$0x3000]  }
0xed: {  	v8 =	vmul.f32 v9, v8;
	v3 =	vadd.f32 v3, v2;
	v9 =	vld [tilespmem:s2+$0x1000];
	v4 =	vadd.f32 v4, v6  }
0xee: {  	v6 =	vshll.u32 v11, $0x10;
	v2 =	vand.u32 $0xFFFF0000, v7;
	v12 =	vshll.u32 v5, $0x10;
	v15 =	vld [tilespmem:s2+$0x3E00]  }
0xef: {  	v8 =	vadd.f32 v3, v8;
	v6 =	vmul.f32 v12, v6;
	v12 =	vld [tilespmem:s2+$0x1E00];
	v4 =	vadd.f32 v4, v0  }
0xf0: {  	v11 =	vand.u32 $0xFFFF0000, v11;
	v5 =	vand.u32 $0xFFFF0000, v5;
	v3 =	vshll.u32 v13, $0x10;
	v16 =	vld [tilespmem:s2+$0x3200]  }
0xf1: {  	v5 =	vmul.f32 v5, v11;
	v6 =	vadd.f32 v6, v8;
	v8 =	vld [tilespmem:s2+$0x1200];
	v11 =	vsub.f32 $0.0e+00, v4  }
0xf2: {  	v13 =	vshll.u32 v10, $0x10;
	v4 =	vshll.u32 v7, $0x10;
	v14 =	vshll.u32 v9, $0x10;
	v17 =	vld [tilespmem:s2+$0x3C00]  }
0xf3: {  	v6 =	vadd.f32 v6, v5;
	v7 =	vmul.f32 v14, v13;
	v18 =	vld [tilespmem:s2+$0x1C00];
	v11 =	vmul.f32 $1.442695020e+00, v11  }
0xf4: {  	v10 =	vand.u32 $0xFFFF0000, v10;
	v9 =	vand.u32 $0xFFFF0000, v9;
	v5 =	vand.u32 $0xFFFF0000, v15;
	v21 =	vld [tilespmem:s2+$0x3400]  }
0xf5: {  	v9 =	vmul.f32 v9, v10;
	v7 =	vadd.f32 v7, v6;
	v22 =	vld [tilespmem:s2+$0x1400];
	(erf) = vpow2.f32 v11  }
0xf6: {  	v10 =	vshll.u32 v16, $0x10;
	v6 =	vand.u32 $0xFFFF0000, v12;
	v11 =	vshll.u32 v8, $0x10;
	v14 =	vld [tilespmem:s2+$0x3A00]  }
0xf7: {  	v9 =	vadd.f32 v7, v9;
	v10 =	vmul.f32 v11, v10;
	v13 =	vld [tilespmem:s2+$0x1A00];
	v7 =	vshll.u32 v15, $0x10  }
0xf8: {  	v11 =	vand.u32 $0xFFFF0000, v16;
	v15 =	vand.u32 $0xFFFF0000, v8;
	v8 =	vshll.u32 v12, $0x10;
	v19 =	vld [tilespmem:s2+$0x3600]  }
0xf9: {  	v11 =	vmul.f32 v15, v11;
	v12 =	vadd.f32 v10, v9;
	v20 =	vld [tilespmem:s2+$0x1600];
	v9 =	vand.u32 $0xFFFF0000, v17  }
.Ltmp0:
0xfa: {  	v15 =	vshll.u32 v21, $0x10;
	v10 =	vand.u32 $0xFFFF0000, v18;
	v16 =	vshll.u32 v22, $0x10;
	(pc) =	sbr.rel @p0 .LBB2_2-.Ltmp0, $4  }
0xfb: {  	v23 =	vadd.f32 v12, v11;
	v15 =	vmul.f32 v16, v15;
	v11 =	vshll.u32 v17, $0x10  }
0xfc: {  	v16 =	vand.u32 $0xFFFF0000, v21;
	v21 =	vand.u32 $0xFFFF0000, v22;
	v12 =	vshll.u32 v18, $0x10;
	v17 =	vld [tilespmem:s2+$0x3800]  }
0xfd: {  	s29 =	sshra.s32 s31, $0x2;
	v22 =	vadd.f32 v15, v23;
	v23 =	vmul.f32 v21, v16;
	v18 =	vld [tilespmem:s2+$0x1800];
	v15 =	vand.u32 $0xFFFF0000, v14  }
0xfe: {  	s31 =	sadd.s32 $0x40, s31;
	v24 =	vshll.u32 v19, $0x10;
	v16 =	vand.u32 $0xFFFF0000, v13;
	v21 =	vld [tilespmem:s29+$0x2200];
	v25 =	vshll.u32 v20, $0x10;
	v26 =	vpop (erf)  }
0xff: {  	v27 =	vld [tilespmem:s29+$0x200];
	_ =	sdelay $0x1  }
0x100: {  	v40 =	vadd.f32 $1.000000000e+00, v26  }
0x101: {  	v22 =	vadd.f32 v22, v23;
	v24 =	vmul.f32 v25, v24;
	v19 =	vand.u32 $0xFFFF0000, v19;
	v41 =	vld [tilespmem:s29+$0x2400]  }
0x102: {  	v20 =	vand.u32 $0xFFFF0000, v20;
	v42 =	vld [tilespmem:s29+$0x400];
	v14 =	vshll.u32 v14, $0x10;
	(erf) = vrcp.f32 v40  }
0x103: {  	v13 =	vshll.u32 v13, $0x10;
	v43 =	vshll.u32 v21, $0x10;
	v28 =	vshll.u32 v27, $0x10  }
0x104: {  	v19 =	vmul.f32 v20, v19;
	v22 =	vadd.f32 v24, v22;
	v44 =	vmul.f32 v28, v43  }
0x105: {  	v49 =	vld [tilespmem:s29+$0x2600];
	v45 =	vshll.u32 v17, $0x10;
	v46 =	vand.u32 $0xFFFF0000, v21;
	v47 =	vand.u32 $0xFFFF0000, v27  }
0x106: {  	v51 =	vld [tilespmem:s29+$0x600];
	v54 =	vand.u32 $0xFFFF0000, v17;
	v21 =	vmul.f32 v47, v46;
	v20 =	vadd.f32 $0.0e+00, v44  }
0x107: {  	v48 =	vshll.u32 v18, $0x10;
	v52 =	vshll.u32 v41, $0x10;
	v53 =	vshll.u32 v42, $0x10  }
0x108: {  	v55 =	vand.u32 $0xFFFF0000, v18;
	v20 =	vadd.f32 v20, v21;
	v21 =	vmul.f32 v53, v52  }
0x109: {  	v56 =	vld [tilespmem:s29+$0x2800];
	v19 =	vadd.f32 v22, v19;
	v25 =	vand.u32 $0xFFFF0000, v41;
	v23 =	vand.u32 $0xFFFF0000, v42  }
0x10a: {  	v58 =	vld [tilespmem:s29+$0x800];
	v50 =	vmul.f32 v48, v45;
	v57 =	vmul.f32 v23, v25;
	v20 =	vadd.f32 v21, v20  }
0x10b: {  	v17 =	vmul.f32 v55, v54;
	v60 =	vshll.u32 v49, $0x10;
	v61 =	vshll.u32 v51, $0x10;
	v59 =	vpop (erf)  }
0x10c: {  	v19 =	vadd.f32 v50, v19;
	v63 =	vmul.f32 v61, v60;
	[tilespmem:s1+$0x4680] =	vst v59;
	v62 =	vadd.f32 v20, v57  }
0x10d: {  	v13 =	vmul.f32 v13, v14;
	v26 =	vand.u32 $0xFFFF0000, v51;
	v25 =	vand.u32 $0xFFFF0000, v49;
	v28 =	vld [tilespmem:s29+$0x2A00]  }
0x10e: {  	v14 =	vmul.f32 v26, v25;
	v17 =	vadd.f32 v19, v17;
	v29 =	vld [tilespmem:s29+$0xA00];
	v18 =	vadd.f32 v63, v62  }
0x10f: {  	v15 =	vmul.f32 v16, v15;
	v30 =	vshll.u32 v56, $0x10;
	v31 =	vshll.u32 v58, $0x10  }
0x110: {  	v16 =	vmul.f32 v31, v30;
	v13 =	vadd.f32 v13, v17;
	v14 =	vadd.f32 v18, v14  }
0x111: {  	v11 =	vmul.f32 v12, v11;
	v32 =	vand.u32 $0xFFFF0000, v56;
	v33 =	vand.u32 $0xFFFF0000, v58;
	v34 =	vld [tilespmem:s29+$0x2C00]  }
0x112: {  	v12 =	vmul.f32 v33, v32;
	v13 =	vadd.f32 v13, v15;
	v35 =	vld [tilespmem:s29+$0xC00];
	v14 =	vadd.f32 v16, v14  }
0x113: {  	v9 =	vmul.f32 v10, v9;
	v36 =	vshll.u32 v28, $0x10;
	v37 =	vshll.u32 v29, $0x10  }
0x114: {  	v11 =	vadd.f32 v11, v13;
	v10 =	vmul.f32 v37, v36;
	v12 =	vadd.f32 v14, v12  }
0x115: {  	v7 =	vmul.f32 v8, v7;
	v40 =	vld [tilespmem:s29+$0x2E00];
	v38 =	vand.u32 $0xFFFF0000, v28;
	v39 =	vand.u32 $0xFFFF0000, v29  }
0x116: {  	v41 =	vld [tilespmem:s29+$0xE00];
	v9 =	vadd.f32 v11, v9;
	v8 =	vmul.f32 v39, v38;
	v10 =	vadd.f32 v10, v12  }
0x117: {  	v5 =	vmul.f32 v6, v5;
	v42 =	vshll.u32 v34, $0x10;
	v43 =	vshll.u32 v35, $0x10  }
0x118: {  	v7 =	vadd.f32 v7, v9;
	v6 =	vmul.f32 v43, v42;
	v8 =	vadd.f32 v10, v8  }
0x119: {  	v3 =	vmul.f32 v4, v3;
	v46 =	vld [tilespmem:s29+$0x3000];
	v44 =	vand.u32 $0xFFFF0000, v34;
	v45 =	vand.u32 $0xFFFF0000, v35  }
0x11a: {  	v47 =	vld [tilespmem:s29+$0x1000];
	v4 =	vmul.f32 v45, v44;
	v5 =	vadd.f32 v7, v5;
	v6 =	vadd.f32 v6, v8  }
0x11b: {  	v1 =	vmul.f32 v2, v1;
	v48 =	vld [tilespmem:s2+$0x4400];
	v49 =	vshll.u32 v40, $0x10;
	v50 =	vshll.u32 v41, $0x10  }
0x11c: {  	v51 =	vld [tilespmem:s2+$0x4200];
	v2 =	vmul.f32 v50, v49;
	v3 =	vadd.f32 v3, v5;
	v4 =	vadd.f32 v6, v4  }
0x11d: {  	v54 =	vld [tilespmem:s29+$0x3200];
	v52 =	vand.u32 $0xFFFF0000, v40;
	v53 =	vand.u32 $0xFFFF0000, v41  }
0x11e: {  	v56 =	vld [tilespmem:s29+$0x1200];
	v55 =	vmul.f32 v53, v52;
	v1 =	vadd.f32 v3, v1;
	v2 =	vadd.f32 v2, v4  }
0x11f: {  	v57 =	vshll.u32 v46, $0x10;
	v58 =	vshll.u32 v47, $0x10  }
0x120: {  	v59 =	vmul.f32 v58, v57;
	v1 =	vadd.f32 v1, v48;
	v2 =	vadd.f32 v2, v55  }
0x121: {  	v62 =	vld [tilespmem:s29+$0x3400];
	v60 =	vand.u32 $0xFFFF0000, v46;
	v61 =	vand.u32 $0xFFFF0000, v47  }
0x122: {  	v63 =	vmul.f32 v61, v60;
	v12 =	vld [tilespmem:s29+$0x1400];
	v1 =	vadd.f32 v1, v51;
	v2 =	vadd.f32 v59, v2  }
0x123: {  	v13 =	vshll.u32 v54, $0x10;
	v14 =	vshll.u32 v56, $0x10  }
0x124: {  	v15 =	vmul.f32 v14, v13;
	v1 =	vadd.f32 v1, v0;
	v2 =	vadd.f32 v2, v63  }
0x125: {  	v17 =	vld [tilespmem:s29+$0x3600];
	v16 =	vand.u32 $0xFFFF0000, v54;
	v4 =	vand.u32 $0xFFFF0000, v56  }
0x126: {  	v19 =	vld [tilespmem:s29+$0x1600];
	v1 =	vsub.f32 $0.0e+00, v1;
	v18 =	vmul.f32 v4, v16;
	v2 =	vadd.f32 v15, v2  }
0x127: {  	v20 =	vshll.u32 v62, $0x10;
	v21 =	vshll.u32 v12, $0x10  }
0x128: {  	v22 =	vmul.f32 v21, v20;
	v1 =	vmul.f32 $1.442695020e+00, v1;
	v2 =	vadd.f32 v2, v18  }
0x129: {  	v24 =	vld [tilespmem:s29+$0x3800];
	v23 =	vand.u32 $0xFFFF0000, v62;
	v5 =	vand.u32 $0xFFFF0000, v12  }
0x12a: {  	v27 =	vld [tilespmem:s29+$0x1800];
	v26 =	vmul.f32 v5, v23;
	(erf) = vpow2.f32 v1;
	v25 =	vadd.f32 v22, v2  }
0x12b: {  	v28 =	vshll.u32 v17, $0x10;
	v29 =	vshll.u32 v19, $0x10  }
0x12c: {  	v30 =	vmul.f32 v29, v28;
	v1 =	vadd.f32 v25, v26  }
0x12d: {  	v31 =	vld [tilespmem:s29+$0x3A00];
	v32 =	vand.u32 $0xFFFF0000, v17;
	v4 =	vand.u32 $0xFFFF0000, v19  }
0x12e: {  	v33 =	vld [tilespmem:s29+$0x1A00];
	v34 =	vmul.f32 v4, v32;
	v1 =	vadd.f32 v30, v1  }
0x12f: {  	v35 =	vshll.u32 v24, $0x10;
	v36 =	vshll.u32 v27, $0x10  }
0x130: {  	v37 =	vmul.f32 v36, v35;
	v1 =	vadd.f32 v1, v34  }
0x131: {  	v40 =	vld [tilespmem:s29+$0x1C00];
	v39 =	vand.u32 $0xFFFF0000, v24;
	v3 =	vand.u32 $0xFFFF0000, v27  }
0x132: {  	v38 =	vld [tilespmem:s29+$0x3C00];
	v41 =	vmul.f32 v3, v39;
	v1 =	vadd.f32 v37, v1  }
0x133: {  	v43 =	vshll.u32 v31, $0x10;
	v44 =	vshll.u32 v33, $0x10;
	v42 =	vpop (erf)  }
0x134: {  	v6 =	vmul.f32 v44, v43;
	v3 =	vadd.f32 $1.000000000e+00, v42;
	v1 =	vadd.f32 v1, v41  }
0x135: {  	v46 =	vld [tilespmem:s29+$0x1E00];
	v8 =	vand.u32 $0xFFFF0000, v33;
	v5 =	vand.u32 $0xFFFF0000, v31  }
0x136: {  	v45 =	vld [tilespmem:s29+$0x3E00];
	v47 =	vmul.f32 v8, v5;
	(erf) = vrcp.f32 v3;
	v1 =	vadd.f32 v6, v1  }
0x137: {  	v49 =	vshll.u32 v40, $0x10;
	v48 =	vshll.u32 v38, $0x10  }
0x138: {  	v5 =	vmul.f32 v49, v48;
	v1 =	vadd.f32 v1, v47  }
0x139: {  	v50 =	vld [tilespmem:s29+$0x4000];
	v51 =	vand.u32 $0xFFFF0000, v40;
	v4 =	vand.u32 $0xFFFF0000, v38  }
0x13a: {  	v52 =	vld [tilespmem:s29+$0x2000];
	v4 =	vmul.f32 v51, v4;
	v1 =	vadd.f32 v5, v1  }
0x13b: {  	v54 =	vshll.u32 v46, $0x10;
	v53 =	vshll.u32 v45, $0x10  }
0x13c: {  	v5 =	vmul.f32 v54, v53;
	v1 =	vadd.f32 v1, v4  }
0x13d: {  	v55 =	vand.u32 $0xFFFF0000, v46;
	v2 =	vand.u32 $0xFFFF0000, v45  }
0x13e: {  	v2 =	vmul.f32 v55, v2;
	v1 =	vadd.f32 v5, v1  }
0x13f: {  	v57 =	vshll.u32 v52, $0x10;
	v56 =	vshll.u32 v50, $0x10;
	v58 =	vpop (erf)  }
0x140: {  	[tilespmem:s2+$0x4680] =	vst v58;
	v4 =	vmul.f32 v57, v56;
	v1 =	vadd.f32 v1, v2  }
0x141: {  	v60 =	vand.u32 $0xFFFF0000, v52;
	v59 =	vand.u32 $0xFFFF0000, v50;
	v61 =	vld [tilespmem:s29+$0x4400]  }
0x142: {  	v2 =	vmul.f32 v60, v59;
	v1 =	vadd.f32 v4, v1  }
0x143: {  	v62 =	vld [tilespmem:s29+$0x4200]  }
0x144: {  	v1 =	vadd.f32 v1, v2;
	_ =	sdelay $0x1  }
0x145: {  	v1 =	vadd.f32 v1, v61;
	_ =	sdelay $0x1  }
0x146: {  	v1 =	vadd.f32 v1, v62;
	_ =	sdelay $0x1  }
0x147: {  	v63 =	vadd.f32 v1, v0;
	_ =	sdelay $0x1  }
0x148: {  	v0 =	vsub.f32 $0.0e+00, v63;
	_ =	sdelay $0x1  }
0x149: {  	v0 =	vmul.f32 $1.442695020e+00, v0;
	_ =	sdelay $0x1  }
0x14a: {  	(erf) = vpow2.f32 v0;
	_ =	sdelay $0x8  }
0x14b: {  	v0 =	vpop (erf)  }
0x14c: {  	v0 =	vadd.f32 $1.000000000e+00, v0;
	_ =	sdelay $0x1  }
0x14d: {  	(erf) = vrcp.f32 v0;
	_ =	sdelay $0x7  }
0x14e: {  	s0 =	sadd.s32 $0x1, s0  }
0x14f: {  	p0 =	sne.s32 s0, s25;
	v0 =	vpop (erf)  }
.Ltmp1:
0x150: {  	s31 =	simm.s32 $0x4680;
	[tilespmem:s29+$0x4680] =	vst v0;
	(pc) =	sbr.rel @p0 .LBB2_1-.Ltmp1, $4  }
0x151: {  	[hbm4b:s20+s3] =	stream.linear.scatter [tilespmem:s31], [sflag:$0x2], $0x200, $0x38;
	[tilespmem:$0x4880] =	vst v63  }
0x152: {  	_ =	swait.ge [sflag:s26], $0x200  }
0x153: {  	[sflag:s26] =	ssyncset.done $0x0  }
0x154: {  	[sflag:s26] =	ssyncadd.s32 $0xFFFFFE00  }
0x155: {  	_ =	sfence.sel $0x180000  }
0x156: {  	[bflag:$0x0] =	sbarrier.arrive $0xFFFF  }
0x157: {  	_ =	strace $0x9000004A  }
0x158: {  	s0 =	stileid.u32;
	[bflag:$0x2] =	sbarrier.arrive $0xFFFF  }
0x159: {  	p0 =	sne.s32 s0, $0x0;
	s0 =	rddreg [dreg:$0x4]  }
0x15a: {  	s0 =	sadd.s32 @!p0 $0x100000, s0  }
0x15b: {  	[sflag:s0] =	ssyncadd.tile.s32 @!p0 $0x1;
	_ =	shalt  }
.Lfunc_end2:
_tile_overlayer_lowered:
.L_overlay_start_2:
0x15c: {  	(tag) =	ssettag $0x2  }
0x15d: {  	s0 =	rddreg [dreg:$0x0];
	s2 =	stileid.u32  }
0x15e: {  	s1 =	rddreg [dreg:$0x1];
	p0 =	sne.s32 s2, $0x0  }
0x15f: {  	s3 =	rddreg [dreg:$0x2];
	[bflag:$0x3] =	sbarrier.arrive $0xFFFF;
	s2 =	simm.s32 @!p0 $0x1C02  }
0x160: {  	[timem:s3], [sflag:s2] =	dma.local @!p0 [hbm:s0], s1  }
0x161: {  	s0 =	simm.s32 @!p0 $0x2  }
0x162: {  	_ =	swait.ge @!p0 [sflag:s0], s1  }
0x163: {  	s1 =	ssub.s32 @!p0 $0x0, s1;
	[sflag:s0] =	ssyncset.done @!p0 $0x0  }
0x164: {  	[sflag:s0] =	ssyncadd.s32 @!p0 s1  }
0x165: {  	[bflag:$0x3] =	sbarrier.arrive $0xFFFF  }
0x166: {  	_ =	shalt  }

</sc_bundles>
